<compile_context>
chip_gen: v7x
topology: tpu7x:2x2x1
jax: 0.10.2.dev20260603
libtpu: 0.0.44.dev20260713+nightly
codegen_flags: <defaults>
</compile_context>

<pallas_src>
import jax
import jax.numpy as jnp
from jax import lax
from jax.experimental import pallas as pl
from jax.experimental.pallas import tpu as pltpu
from jax.experimental.pallas import tpu_sc as plsc

_VOCAB = 1000000
_DIM = 64
_BATCH = 16384
_N_SAMPLES = 20

_NC = 2
_NS = 16
_NW = _NC * _NS

_CHUNK = 128
_GROUP = 4
_GROWS = _CHUNK * _GROUP

_XROWS = _BATCH // _CHUNK
_NZ_TOTAL = _BATCH * _N_SAMPLES
_NZROWS = _NZ_TOTAL // _CHUNK

_XPW = _XROWS // _NW
_NZPW = _NZROWS // _NW
_NZ_GROUPS = _NZPW // _GROUP


def _body(x2, y2, nz2, w_in, w_out, ox, oy, onz,
          ix_v, iy_v, inz_v, buf, gsem0, gsem1, wsem0, wsem1):
    c = lax.axis_index("c")
    s = lax.axis_index("s")
    wid = s * _NC + c

    gsem = [gsem0, gsem1]
    wsem = [wsem0, wsem1]
    nz_base = wid * _NZPW * _CHUNK

    pltpu.sync_copy(x2.at[pl.ds(wid * _XPW, _XPW)], ix_v)
    pltpu.sync_copy(y2.at[pl.ds(wid * _XPW, _XPW)], iy_v)
    pltpu.sync_copy(nz2.at[pl.ds(wid * _NZPW, _NZPW)], inz_v)

    def fire(table, idx_v, row0, b, sem):
        return [
            pltpu.async_copy(table.at[idx_v.at[row0 + j]],
                             buf.at[b, pl.ds(j * _CHUNK, _CHUNK)], sem)
            for j in range(_GROUP)
        ]

    def nz_out(g):
        return onz.at[pl.ds(nz_base + g * _GROWS, _GROWS)]

    def drain_wb(b, dst):
        pltpu.make_async_copy(onz.at[pl.ds(0, _GROWS)], dst, wsem[b]).wait()

    hx = fire(w_in, ix_v, 0, 0, gsem0)
    hy = fire(w_out, iy_v, 0, 1, gsem1)
    for h in hx:
        h.wait()
    wbx = pltpu.async_copy(buf.at[0], ox.at[pl.ds(wid * _GROWS, _GROWS)],
                           wsem0)
    for h in hy:
        h.wait()
    wby = pltpu.async_copy(buf.at[1], oy.at[pl.ds(wid * _GROWS, _GROWS)],
                           wsem1)
    wbx.wait()
    for h in fire(w_out, inz_v, 0, 0, gsem0):
        h.wait()
    pltpu.async_copy(buf.at[0], nz_out(0), wsem0)
    wby.wait()
    for h in fire(w_out, inz_v, _GROUP, 1, gsem1):
        h.wait()
    pltpu.async_copy(buf.at[1], nz_out(1), wsem1)

    @pl.loop(2, _NZ_GROUPS, step=2)
    def _(g):
        for b in range(2):
            gg = g + b
            drain_wb(b, nz_out(gg - 2))
            for h in fire(w_out, inz_v, gg * _GROUP, b, gsem[b]):
                h.wait()
            pltpu.async_copy(buf.at[b], nz_out(gg), wsem[b])

    drain_wb(0, nz_out(_NZ_GROUPS - 2))
    drain_wb(1, nz_out(_NZ_GROUPS - 1))


def kernel(x, y, noise_words, W_in, W_out):
    x2 = x.astype(jnp.int32).reshape(_XROWS, _CHUNK)
    y2 = y.astype(jnp.int32).reshape(_XROWS, _CHUNK)
    nz2 = noise_words.astype(jnp.int32).reshape(_NZROWS, _CHUNK)

    mesh = plsc.VectorSubcoreMesh(core_axis_name="c", subcore_axis_name="s")
    f32 = jnp.float32
    call = pl.kernel(
        _body,
        out_type=(
            jax.ShapeDtypeStruct((_BATCH, _DIM), f32),
            jax.ShapeDtypeStruct((_BATCH, _DIM), f32),
            jax.ShapeDtypeStruct((_NZ_TOTAL, _DIM), f32),
        ),
        mesh=mesh,
        compiler_params=pltpu.CompilerParams(use_tc_tiling_on_sc=False),
        scratch_types=[
            pltpu.VMEM((_XPW, _CHUNK), jnp.int32),
            pltpu.VMEM((_XPW, _CHUNK), jnp.int32),
            pltpu.VMEM((_NZPW, _CHUNK), jnp.int32),
            pltpu.VMEM((2, _GROWS, _DIM), f32),
            pltpu.SemaphoreType.DMA,
            pltpu.SemaphoreType.DMA,
            pltpu.SemaphoreType.DMA,
            pltpu.SemaphoreType.DMA,
        ],
    )
    ox, oy, onz = call(x2, y2, nz2, W_in, W_out)
    return ox, oy, onz.reshape(_BATCH, _N_SAMPLES, _DIM)

# --- scband reference (transcript-rebuilt; emitter-appended) ---
"""Pipeline reference for scband-pytorch-neg-word2-vec-44994077392920 (READ-ONLY COPY).

The authoritative reference and input builder live on the scoring server;
editing this copy changes nothing except your own understanding.
"""

import jax, jax.numpy as jnp
import numpy as np

VOCAB = 1000000
DIM = 64
BATCH = 16384
N_SAMPLES = 20

def setup_inputs(seed: int = 0) -> dict:
    key = jax.random.key(seed)
    k1, k2, k3, k4, k5 = jax.random.split(key, 5)
    x = jax.random.randint(k1, (BATCH,), 0, VOCAB, dtype=jnp.int64 if jax.config.jax_enable_x64 else jnp.int32)
    y = jax.random.randint(k2, (BATCH,), 0, VOCAB, dtype=jnp.int64 if jax.config.jax_enable_x64 else jnp.int32)
    noise_words = jax.random.randint(k3, (BATCH * N_SAMPLES,), 0, VOCAB, dtype=jnp.int64 if jax.config.jax_enable_x64 else jnp.int32)
    # initialize_weights(): uniform(-1, 1) for both embedding tables
    W_in = jax.random.uniform(k4, (VOCAB, DIM), dtype=jnp.float32, minval=-1.0, maxval=1.0)
    W_out = jax.random.uniform(k5, (VOCAB, DIM), dtype=jnp.float32, minval=-1.0, maxval=1.0)
    return {"x": x, "y": y, "noise_words": noise_words, "W_in": W_in, "W_out": W_out}

def reference(x, y, noise_words, W_in, W_out):
    # forward_input: embedding_input(x)
    in_vec = jnp.take(W_in, x, axis=0)
    # forward_output: embedding_output(y)
    out_vec = jnp.take(W_out, y, axis=0)
    # forward_noise: embedding_output(noise_words).view(batch, n_samples, dim)
    noise_vec = jnp.take(W_out, noise_words, axis=0).reshape(BATCH, N_SAMPLES, DIM)
    return (in_vec, out_vec, noise_vec)

if __name__ == "__main__":
    import jax
    _d = setup_inputs()
    print(jax.jit(kernel)(*tuple(_d.values())))

</pallas_src>

<mosaic_0001>
#map = affine_map<(d0, d1) -> (0, 0)>
module attributes {stable_mosaic.version = 14 : i64} {
  func.func @_body(%arg0: i32, %arg1: i32, %arg2: memref<128x128xi32, #tpu.memory_space<hbm>>, %arg3: memref<128x128xi32, #tpu.memory_space<hbm>>, %arg4: memref<2560x128xi32, #tpu.memory_space<hbm>>, %arg5: memref<1000000x64xf32, #tpu.memory_space<hbm>>, %arg6: memref<1000000x64xf32, #tpu.memory_space<hbm>>, %arg7: memref<16384x64xf32, #tpu.memory_space<hbm>>, %arg8: memref<16384x64xf32, #tpu.memory_space<hbm>>, %arg9: memref<327680x64xf32, #tpu.memory_space<hbm>>, %arg10: memref<4x128xi32, #tpu.memory_space<vmem>>, %arg11: memref<4x128xi32, #tpu.memory_space<vmem>>, %arg12: memref<80x128xi32, #tpu.memory_space<vmem>>, %arg13: memref<2x512x64xf32, #tpu.memory_space<vmem>>, %arg14: memref<!tpu.dma_semaphore, #tpu.memory_space<semaphore_mem>>, %arg15: memref<!tpu.dma_semaphore, #tpu.memory_space<semaphore_mem>>, %arg16: memref<!tpu.dma_semaphore, #tpu.memory_space<semaphore_mem>>, %arg17: memref<!tpu.dma_semaphore, #tpu.memory_space<semaphore_mem>>) attributes {dimension_semantics = [#tpu.dimension_semantics<core_parallel>, #tpu.dimension_semantics<subcore_parallel>], iteration_bounds = array<i64: 2, 16>, scalar_prefetch = 0 : i64, scratch_operands = 8 : i64, tpu.core_type = #tpu.core_type<sc_vector_subcore>, window_params = [{transform_indices = #map}, {transform_indices = #map}, {transform_indices = #map}, {transform_indices = #map}, {transform_indices = #map}, {transform_indices = #map}, {transform_indices = #map}, {transform_indices = #map}]} {
    %mul3A = arith.constant 2 : i32
    %mul3A_0 = arith.muli %arg1, %mul3A : i32
    %add3A = arith.addi %mul3A_0, %arg0 : i32
    %mul3A_1 = arith.constant 80 : i32
    %mul3A_2 = arith.muli %add3A, %mul3A_1 : i32
    %mul3A_3 = arith.constant 128 : i32
    %mul3A_4 = arith.muli %mul3A_2, %mul3A_3 : i32
    %mul3A_5 = arith.constant 4 : i32
    %mul3A_6 = arith.muli %add3A, %mul3A_5 : i32
    "tpu.region"() ({
      %run_scoped3A = tpu.sem_alloc : memref<!tpu.dma_semaphore, #tpu.memory_space<semaphore_mem>>
      %dma_start3A_497 = arith.constant 0 : i32
      %dma_start3A_498 = tpu.memref_slice %arg2[%mul3A_6, %dma_start3A_497] : memref<128x128xi32, #tpu.memory_space<hbm>> -> memref<4x128xi32, #tpu.memory_space<hbm>>
      %dma_start3A_499 = arith.constant 0 : i32
      %dma_start3A_500 = tpu.memref_slice %arg2[%mul3A_6, %dma_start3A_499] : memref<128x128xi32, #tpu.memory_space<hbm>> -> memref<4x128xi32, #tpu.memory_space<hbm>>
      tpu.enqueue_dma source(%dma_start3A_500 : memref<4x128xi32, #tpu.memory_space<hbm>>) target(%arg10 : memref<4x128xi32, #tpu.memory_space<vmem>>) target_semaphore(%run_scoped3A : memref<!tpu.dma_semaphore, #tpu.memory_space<semaphore_mem>>)
      %dma_wait3A_501 = arith.constant 0 : i32
      %dma_wait3A_502 = tpu.memref_slice %arg2[%mul3A_6, %dma_wait3A_501] : memref<128x128xi32, #tpu.memory_space<hbm>> -> memref<4x128xi32, #tpu.memory_space<hbm>>
      %dma_wait3A_503 = arith.constant 0 : i32
      %dma_wait3A_504 = tpu.memref_slice %arg2[%mul3A_6, %dma_wait3A_503] : memref<128x128xi32, #tpu.memory_space<hbm>> -> memref<4x128xi32, #tpu.memory_space<hbm>>
      tpu.wait_dma2 semaphore(%run_scoped3A : memref<!tpu.dma_semaphore, #tpu.memory_space<semaphore_mem>>) src(%dma_wait3A_504 : memref<4x128xi32, #tpu.memory_space<hbm>>) dst(%arg10 : memref<4x128xi32, #tpu.memory_space<vmem>>)
      tpu.yield
    }) : () -> ()
    %mul3A_7 = arith.constant 4 : i32
    %mul3A_8 = arith.muli %add3A, %mul3A_7 : i32
    "tpu.region"() ({
      %run_scoped3A = tpu.sem_alloc : memref<!tpu.dma_semaphore, #tpu.memory_space<semaphore_mem>>
      %dma_start3A_497 = arith.constant 0 : i32
      %dma_start3A_498 = tpu.memref_slice %arg3[%mul3A_8, %dma_start3A_497] : memref<128x128xi32, #tpu.memory_space<hbm>> -> memref<4x128xi32, #tpu.memory_space<hbm>>
      %dma_start3A_499 = arith.constant 0 : i32
      %dma_start3A_500 = tpu.memref_slice %arg3[%mul3A_8, %dma_start3A_499] : memref<128x128xi32, #tpu.memory_space<hbm>> -> memref<4x128xi32, #tpu.memory_space<hbm>>
      tpu.enqueue_dma source(%dma_start3A_500 : memref<4x128xi32, #tpu.memory_space<hbm>>) target(%arg11 : memref<4x128xi32, #tpu.memory_space<vmem>>) target_semaphore(%run_scoped3A : memref<!tpu.dma_semaphore, #tpu.memory_space<semaphore_mem>>)
      %dma_wait3A_501 = arith.constant 0 : i32
      %dma_wait3A_502 = tpu.memref_slice %arg3[%mul3A_8, %dma_wait3A_501] : memref<128x128xi32, #tpu.memory_space<hbm>> -> memref<4x128xi32, #tpu.memory_space<hbm>>
      %dma_wait3A_503 = arith.constant 0 : i32
      %dma_wait3A_504 = tpu.memref_slice %arg3[%mul3A_8, %dma_wait3A_503] : memref<128x128xi32, #tpu.memory_space<hbm>> -> memref<4x128xi32, #tpu.memory_space<hbm>>
      tpu.wait_dma2 semaphore(%run_scoped3A : memref<!tpu.dma_semaphore, #tpu.memory_space<semaphore_mem>>) src(%dma_wait3A_504 : memref<4x128xi32, #tpu.memory_space<hbm>>) dst(%arg11 : memref<4x128xi32, #tpu.memory_space<vmem>>)
      tpu.yield
    }) : () -> ()
    %mul3A_9 = arith.constant 80 : i32
    %mul3A_10 = arith.muli %add3A, %mul3A_9 : i32
    "tpu.region"() ({
      %run_scoped3A = tpu.sem_alloc : memref<!tpu.dma_semaphore, #tpu.memory_space<semaphore_mem>>
      %dma_start3A_497 = arith.constant 0 : i32
      %dma_start3A_498 = tpu.memref_slice %arg4[%mul3A_10, %dma_start3A_497] : memref<2560x128xi32, #tpu.memory_space<hbm>> -> memref<80x128xi32, #tpu.memory_space<hbm>>
      %dma_start3A_499 = arith.constant 0 : i32
      %dma_start3A_500 = tpu.memref_slice %arg4[%mul3A_10, %dma_start3A_499] : memref<2560x128xi32, #tpu.memory_space<hbm>> -> memref<80x128xi32, #tpu.memory_space<hbm>>
      tpu.enqueue_dma source(%dma_start3A_500 : memref<80x128xi32, #tpu.memory_space<hbm>>) target(%arg12 : memref<80x128xi32, #tpu.memory_space<vmem>>) target_semaphore(%run_scoped3A : memref<!tpu.dma_semaphore, #tpu.memory_space<semaphore_mem>>)
      %dma_wait3A_501 = arith.constant 0 : i32
      %dma_wait3A_502 = tpu.memref_slice %arg4[%mul3A_10, %dma_wait3A_501] : memref<2560x128xi32, #tpu.memory_space<hbm>> -> memref<80x128xi32, #tpu.memory_space<hbm>>
      %dma_wait3A_503 = arith.constant 0 : i32
      %dma_wait3A_504 = tpu.memref_slice %arg4[%mul3A_10, %dma_wait3A_503] : memref<2560x128xi32, #tpu.memory_space<hbm>> -> memref<80x128xi32, #tpu.memory_space<hbm>>
      tpu.wait_dma2 semaphore(%run_scoped3A : memref<!tpu.dma_semaphore, #tpu.memory_space<semaphore_mem>>) src(%dma_wait3A_504 : memref<80x128xi32, #tpu.memory_space<hbm>>) dst(%arg12 : memref<80x128xi32, #tpu.memory_space<vmem>>)
      tpu.yield
    }) : () -> ()
    %dma_start3A = arith.constant 0 : i32
    %dma_start3A_11 = arith.constant 0 : i32
    %dma_start3A_12 = arith.constant 0 : i32
    %dma_start3A_13 = arith.constant 0 : i32
    %dma_start3A_14 = tpu.memref_slice %arg13[%dma_start3A_11, %dma_start3A_12, %dma_start3A_13] : memref<2x512x64xf32, #tpu.memory_space<vmem>> -> memref<1x128x64xf32, #tpu.memory_space<vmem>>
    %dma_start3A_15 = tpu.memref_squeeze %dma_start3A_14 : memref<1x128x64xf32, #tpu.memory_space<vmem>> -> memref<128x64xf32, #tpu.memory_space<vmem>>
    %dma_start3A_16 = arith.constant 0 : i32
    %dma_start3A_17 = tpu.memref_slice %arg10[%dma_start3A, %dma_start3A_16] : memref<4x128xi32, #tpu.memory_space<vmem>> -> memref<1x128xi32, #tpu.memory_space<vmem>>
    %dma_start3A_18 = tpu.memref_squeeze %dma_start3A_17 : memref<1x128xi32, #tpu.memory_space<vmem>> -> memref<128xi32, #tpu.memory_space<vmem>>
    %dma_start3A_19 = arith.constant 0 : i32
    %dma_start3A_20 = arith.constant 0 : i32
    %dma_start3A_21 = tpu.memref_slice %arg5[%dma_start3A_19, %dma_start3A_20] : memref<1000000x64xf32, #tpu.memory_space<hbm>> -> memref<1000000x64xf32, #tpu.memory_space<hbm>>
    tpu.enqueue_indirect_dma source(%dma_start3A_21 : memref<1000000x64xf32, #tpu.memory_space<hbm>>) target(%dma_start3A_15 : memref<128x64xf32, #tpu.memory_space<vmem>>) offsets(%dma_start3A_18 : memref<128xi32, #tpu.memory_space<vmem>>) semaphore(%arg14 : memref<!tpu.dma_semaphore, #tpu.memory_space<semaphore_mem>>)
    %dma_start3A_22 = arith.constant 1 : i32
    %dma_start3A_23 = arith.constant 0 : i32
    %dma_start3A_24 = arith.constant 128 : i32
    %dma_start3A_25 = arith.constant 0 : i32
    %dma_start3A_26 = tpu.memref_slice %arg13[%dma_start3A_23, %dma_start3A_24, %dma_start3A_25] : memref<2x512x64xf32, #tpu.memory_space<vmem>> -> memref<1x128x64xf32, #tpu.memory_space<vmem>>
    %dma_start3A_27 = tpu.memref_squeeze %dma_start3A_26 : memref<1x128x64xf32, #tpu.memory_space<vmem>> -> memref<128x64xf32, #tpu.memory_space<vmem>>
    %dma_start3A_28 = arith.constant 0 : i32
    %dma_start3A_29 = tpu.memref_slice %arg10[%dma_start3A_22, %dma_start3A_28] : memref<4x128xi32, #tpu.memory_space<vmem>> -> memref<1x128xi32, #tpu.memory_space<vmem>>
    %dma_start3A_30 = tpu.memref_squeeze %dma_start3A_29 : memref<1x128xi32, #tpu.memory_space<vmem>> -> memref<128xi32, #tpu.memory_space<vmem>>
    %dma_start3A_31 = arith.constant 0 : i32
    %dma_start3A_32 = arith.constant 0 : i32
    %dma_start3A_33 = tpu.memref_slice %arg5[%dma_start3A_31, %dma_start3A_32] : memref<1000000x64xf32, #tpu.memory_space<hbm>> -> memref<1000000x64xf32, #tpu.memory_space<hbm>>
    tpu.enqueue_indirect_dma source(%dma_start3A_33 : memref<1000000x64xf32, #tpu.memory_space<hbm>>) target(%dma_start3A_27 : memref<128x64xf32, #tpu.memory_space<vmem>>) offsets(%dma_start3A_30 : memref<128xi32, #tpu.memory_space<vmem>>) semaphore(%arg14 : memref<!tpu.dma_semaphore, #tpu.memory_space<semaphore_mem>>)
    %dma_start3A_34 = arith.constant 2 : i32
    %dma_start3A_35 = arith.constant 0 : i32
    %dma_start3A_36 = arith.constant 256 : i32
    %dma_start3A_37 = arith.constant 0 : i32
    %dma_start3A_38 = tpu.memref_slice %arg13[%dma_start3A_35, %dma_start3A_36, %dma_start3A_37] : memref<2x512x64xf32, #tpu.memory_space<vmem>> -> memref<1x128x64xf32, #tpu.memory_space<vmem>>
    %dma_start3A_39 = tpu.memref_squeeze %dma_start3A_38 : memref<1x128x64xf32, #tpu.memory_space<vmem>> -> memref<128x64xf32, #tpu.memory_space<vmem>>
    %dma_start3A_40 = arith.constant 0 : i32
    %dma_start3A_41 = tpu.memref_slice %arg10[%dma_start3A_34, %dma_start3A_40] : memref<4x128xi32, #tpu.memory_space<vmem>> -> memref<1x128xi32, #tpu.memory_space<vmem>>
    %dma_start3A_42 = tpu.memref_squeeze %dma_start3A_41 : memref<1x128xi32, #tpu.memory_space<vmem>> -> memref<128xi32, #tpu.memory_space<vmem>>
    %dma_start3A_43 = arith.constant 0 : i32
    %dma_start3A_44 = arith.constant 0 : i32
    %dma_start3A_45 = tpu.memref_slice %arg5[%dma_start3A_43, %dma_start3A_44] : memref<1000000x64xf32, #tpu.memory_space<hbm>> -> memref<1000000x64xf32, #tpu.memory_space<hbm>>
    tpu.enqueue_indirect_dma source(%dma_start3A_45 : memref<1000000x64xf32, #tpu.memory_space<hbm>>) target(%dma_start3A_39 : memref<128x64xf32, #tpu.memory_space<vmem>>) offsets(%dma_start3A_42 : memref<128xi32, #tpu.memory_space<vmem>>) semaphore(%arg14 : memref<!tpu.dma_semaphore, #tpu.memory_space<semaphore_mem>>)
    %dma_start3A_46 = arith.constant 3 : i32
    %dma_start3A_47 = arith.constant 0 : i32
    %dma_start3A_48 = arith.constant 384 : i32
    %dma_start3A_49 = arith.constant 0 : i32
    %dma_start3A_50 = tpu.memref_slice %arg13[%dma_start3A_47, %dma_start3A_48, %dma_start3A_49] : memref<2x512x64xf32, #tpu.memory_space<vmem>> -> memref<1x128x64xf32, #tpu.memory_space<vmem>>
    %dma_start3A_51 = tpu.memref_squeeze %dma_start3A_50 : memref<1x128x64xf32, #tpu.memory_space<vmem>> -> memref<128x64xf32, #tpu.memory_space<vmem>>
    %dma_start3A_52 = arith.constant 0 : i32
    %dma_start3A_53 = tpu.memref_slice %arg10[%dma_start3A_46, %dma_start3A_52] : memref<4x128xi32, #tpu.memory_space<vmem>> -> memref<1x128xi32, #tpu.memory_space<vmem>>
    %dma_start3A_54 = tpu.memref_squeeze %dma_start3A_53 : memref<1x128xi32, #tpu.memory_space<vmem>> -> memref<128xi32, #tpu.memory_space<vmem>>
    %dma_start3A_55 = arith.constant 0 : i32
    %dma_start3A_56 = arith.constant 0 : i32
    %dma_start3A_57 = tpu.memref_slice %arg5[%dma_start3A_55, %dma_start3A_56] : memref<1000000x64xf32, #tpu.memory_space<hbm>> -> memref<1000000x64xf32, #tpu.memory_space<hbm>>
    tpu.enqueue_indirect_dma source(%dma_start3A_57 : memref<1000000x64xf32, #tpu.memory_space<hbm>>) target(%dma_start3A_51 : memref<128x64xf32, #tpu.memory_space<vmem>>) offsets(%dma_start3A_54 : memref<128xi32, #tpu.memory_space<vmem>>) semaphore(%arg14 : memref<!tpu.dma_semaphore, #tpu.memory_space<semaphore_mem>>)
    %dma_start3A_58 = arith.constant 0 : i32
    %dma_start3A_59 = arith.constant 1 : i32
    %dma_start3A_60 = arith.constant 0 : i32
    %dma_start3A_61 = arith.constant 0 : i32
    %dma_start3A_62 = tpu.memref_slice %arg13[%dma_start3A_59, %dma_start3A_60, %dma_start3A_61] : memref<2x512x64xf32, #tpu.memory_space<vmem>> -> memref<1x128x64xf32, #tpu.memory_space<vmem>>
    %dma_start3A_63 = tpu.memref_squeeze %dma_start3A_62 : memref<1x128x64xf32, #tpu.memory_space<vmem>> -> memref<128x64xf32, #tpu.memory_space<vmem>>
    %dma_start3A_64 = arith.constant 0 : i32
    %dma_start3A_65 = tpu.memref_slice %arg11[%dma_start3A_58, %dma_start3A_64] : memref<4x128xi32, #tpu.memory_space<vmem>> -> memref<1x128xi32, #tpu.memory_space<vmem>>
    %dma_start3A_66 = tpu.memref_squeeze %dma_start3A_65 : memref<1x128xi32, #tpu.memory_space<vmem>> -> memref<128xi32, #tpu.memory_space<vmem>>
    %dma_start3A_67 = arith.constant 0 : i32
    %dma_start3A_68 = arith.constant 0 : i32
    %dma_start3A_69 = tpu.memref_slice %arg6[%dma_start3A_67, %dma_start3A_68] : memref<1000000x64xf32, #tpu.memory_space<hbm>> -> memref<1000000x64xf32, #tpu.memory_space<hbm>>
    tpu.enqueue_indirect_dma source(%dma_start3A_69 : memref<1000000x64xf32, #tpu.memory_space<hbm>>) target(%dma_start3A_63 : memref<128x64xf32, #tpu.memory_space<vmem>>) offsets(%dma_start3A_66 : memref<128xi32, #tpu.memory_space<vmem>>) semaphore(%arg15 : memref<!tpu.dma_semaphore, #tpu.memory_space<semaphore_mem>>)
    %dma_start3A_70 = arith.constant 1 : i32
    %dma_start3A_71 = arith.constant 1 : i32
    %dma_start3A_72 = arith.constant 128 : i32
    %dma_start3A_73 = arith.constant 0 : i32
    %dma_start3A_74 = tpu.memref_slice %arg13[%dma_start3A_71, %dma_start3A_72, %dma_start3A_73] : memref<2x512x64xf32, #tpu.memory_space<vmem>> -> memref<1x128x64xf32, #tpu.memory_space<vmem>>
    %dma_start3A_75 = tpu.memref_squeeze %dma_start3A_74 : memref<1x128x64xf32, #tpu.memory_space<vmem>> -> memref<128x64xf32, #tpu.memory_space<vmem>>
    %dma_start3A_76 = arith.constant 0 : i32
    %dma_start3A_77 = tpu.memref_slice %arg11[%dma_start3A_70, %dma_start3A_76] : memref<4x128xi32, #tpu.memory_space<vmem>> -> memref<1x128xi32, #tpu.memory_space<vmem>>
    %dma_start3A_78 = tpu.memref_squeeze %dma_start3A_77 : memref<1x128xi32, #tpu.memory_space<vmem>> -> memref<128xi32, #tpu.memory_space<vmem>>
    %dma_start3A_79 = arith.constant 0 : i32
    %dma_start3A_80 = arith.constant 0 : i32
    %dma_start3A_81 = tpu.memref_slice %arg6[%dma_start3A_79, %dma_start3A_80] : memref<1000000x64xf32, #tpu.memory_space<hbm>> -> memref<1000000x64xf32, #tpu.memory_space<hbm>>
    tpu.enqueue_indirect_dma source(%dma_start3A_81 : memref<1000000x64xf32, #tpu.memory_space<hbm>>) target(%dma_start3A_75 : memref<128x64xf32, #tpu.memory_space<vmem>>) offsets(%dma_start3A_78 : memref<128xi32, #tpu.memory_space<vmem>>) semaphore(%arg15 : memref<!tpu.dma_semaphore, #tpu.memory_space<semaphore_mem>>)
    %dma_start3A_82 = arith.constant 2 : i32
    %dma_start3A_83 = arith.constant 1 : i32
    %dma_start3A_84 = arith.constant 256 : i32
    %dma_start3A_85 = arith.constant 0 : i32
    %dma_start3A_86 = tpu.memref_slice %arg13[%dma_start3A_83, %dma_start3A_84, %dma_start3A_85] : memref<2x512x64xf32, #tpu.memory_space<vmem>> -> memref<1x128x64xf32, #tpu.memory_space<vmem>>
    %dma_start3A_87 = tpu.memref_squeeze %dma_start3A_86 : memref<1x128x64xf32, #tpu.memory_space<vmem>> -> memref<128x64xf32, #tpu.memory_space<vmem>>
    %dma_start3A_88 = arith.constant 0 : i32
    %dma_start3A_89 = tpu.memref_slice %arg11[%dma_start3A_82, %dma_start3A_88] : memref<4x128xi32, #tpu.memory_space<vmem>> -> memref<1x128xi32, #tpu.memory_space<vmem>>
    %dma_start3A_90 = tpu.memref_squeeze %dma_start3A_89 : memref<1x128xi32, #tpu.memory_space<vmem>> -> memref<128xi32, #tpu.memory_space<vmem>>
    %dma_start3A_91 = arith.constant 0 : i32
    %dma_start3A_92 = arith.constant 0 : i32
    %dma_start3A_93 = tpu.memref_slice %arg6[%dma_start3A_91, %dma_start3A_92] : memref<1000000x64xf32, #tpu.memory_space<hbm>> -> memref<1000000x64xf32, #tpu.memory_space<hbm>>
    tpu.enqueue_indirect_dma source(%dma_start3A_93 : memref<1000000x64xf32, #tpu.memory_space<hbm>>) target(%dma_start3A_87 : memref<128x64xf32, #tpu.memory_space<vmem>>) offsets(%dma_start3A_90 : memref<128xi32, #tpu.memory_space<vmem>>) semaphore(%arg15 : memref<!tpu.dma_semaphore, #tpu.memory_space<semaphore_mem>>)
    %dma_start3A_94 = arith.constant 3 : i32
    %dma_start3A_95 = arith.constant 1 : i32
    %dma_start3A_96 = arith.constant 384 : i32
    %dma_start3A_97 = arith.constant 0 : i32
    %dma_start3A_98 = tpu.memref_slice %arg13[%dma_start3A_95, %dma_start3A_96, %dma_start3A_97] : memref<2x512x64xf32, #tpu.memory_space<vmem>> -> memref<1x128x64xf32, #tpu.memory_space<vmem>>
    %dma_start3A_99 = tpu.memref_squeeze %dma_start3A_98 : memref<1x128x64xf32, #tpu.memory_space<vmem>> -> memref<128x64xf32, #tpu.memory_space<vmem>>
    %dma_start3A_100 = arith.constant 0 : i32
    %dma_start3A_101 = tpu.memref_slice %arg11[%dma_start3A_94, %dma_start3A_100] : memref<4x128xi32, #tpu.memory_space<vmem>> -> memref<1x128xi32, #tpu.memory_space<vmem>>
    %dma_start3A_102 = tpu.memref_squeeze %dma_start3A_101 : memref<1x128xi32, #tpu.memory_space<vmem>> -> memref<128xi32, #tpu.memory_space<vmem>>
    %dma_start3A_103 = arith.constant 0 : i32
    %dma_start3A_104 = arith.constant 0 : i32
    %dma_start3A_105 = tpu.memref_slice %arg6[%dma_start3A_103, %dma_start3A_104] : memref<1000000x64xf32, #tpu.memory_space<hbm>> -> memref<1000000x64xf32, #tpu.memory_space<hbm>>
    tpu.enqueue_indirect_dma source(%dma_start3A_105 : memref<1000000x64xf32, #tpu.memory_space<hbm>>) target(%dma_start3A_99 : memref<128x64xf32, #tpu.memory_space<vmem>>) offsets(%dma_start3A_102 : memref<128xi32, #tpu.memory_space<vmem>>) semaphore(%arg15 : memref<!tpu.dma_semaphore, #tpu.memory_space<semaphore_mem>>)
    %dma_wait3A = arith.constant 0 : i32
    %dma_wait3A_106 = arith.constant 0 : i32
    %dma_wait3A_107 = arith.constant 0 : i32
    %dma_wait3A_108 = arith.constant 0 : i32
    %dma_wait3A_109 = tpu.memref_slice %arg13[%dma_wait3A_106, %dma_wait3A_107, %dma_wait3A_108] : memref<2x512x64xf32, #tpu.memory_space<vmem>> -> memref<1x128x64xf32, #tpu.memory_space<vmem>>
    %dma_wait3A_110 = tpu.memref_squeeze %dma_wait3A_109 : memref<1x128x64xf32, #tpu.memory_space<vmem>> -> memref<128x64xf32, #tpu.memory_space<vmem>>
    %dma_wait3A_111 = arith.constant 0 : i32
    %dma_wait3A_112 = tpu.memref_slice %arg10[%dma_wait3A, %dma_wait3A_111] : memref<4x128xi32, #tpu.memory_space<vmem>> -> memref<1x128xi32, #tpu.memory_space<vmem>>
    %dma_wait3A_113 = tpu.memref_squeeze %dma_wait3A_112 : memref<1x128xi32, #tpu.memory_space<vmem>> -> memref<128xi32, #tpu.memory_space<vmem>>
    %dma_wait3A_114 = arith.constant 0 : i32
    %dma_wait3A_115 = arith.constant 0 : i32
    %dma_wait3A_116 = tpu.memref_slice %arg5[%dma_wait3A_114, %dma_wait3A_115] : memref<1000000x64xf32, #tpu.memory_space<hbm>> -> memref<1000000x64xf32, #tpu.memory_space<hbm>>
    tpu.wait_indirect_dma semaphore(%arg14 : memref<!tpu.dma_semaphore, #tpu.memory_space<semaphore_mem>>) src(%dma_wait3A_116 : memref<1000000x64xf32, #tpu.memory_space<hbm>>) dst(%dma_wait3A_110 : memref<128x64xf32, #tpu.memory_space<vmem>>)
    %dma_wait3A_117 = arith.constant 1 : i32
    %dma_wait3A_118 = arith.constant 0 : i32
    %dma_wait3A_119 = arith.constant 128 : i32
    %dma_wait3A_120 = arith.constant 0 : i32
    %dma_wait3A_121 = tpu.memref_slice %arg13[%dma_wait3A_118, %dma_wait3A_119, %dma_wait3A_120] : memref<2x512x64xf32, #tpu.memory_space<vmem>> -> memref<1x128x64xf32, #tpu.memory_space<vmem>>
    %dma_wait3A_122 = tpu.memref_squeeze %dma_wait3A_121 : memref<1x128x64xf32, #tpu.memory_space<vmem>> -> memref<128x64xf32, #tpu.memory_space<vmem>>
    %dma_wait3A_123 = arith.constant 0 : i32
    %dma_wait3A_124 = tpu.memref_slice %arg10[%dma_wait3A_117, %dma_wait3A_123] : memref<4x128xi32, #tpu.memory_space<vmem>> -> memref<1x128xi32, #tpu.memory_space<vmem>>
    %dma_wait3A_125 = tpu.memref_squeeze %dma_wait3A_124 : memref<1x128xi32, #tpu.memory_space<vmem>> -> memref<128xi32, #tpu.memory_space<vmem>>
    %dma_wait3A_126 = arith.constant 0 : i32
    %dma_wait3A_127 = arith.constant 0 : i32
    %dma_wait3A_128 = tpu.memref_slice %arg5[%dma_wait3A_126, %dma_wait3A_127] : memref<1000000x64xf32, #tpu.memory_space<hbm>> -> memref<1000000x64xf32, #tpu.memory_space<hbm>>
    tpu.wait_indirect_dma semaphore(%arg14 : memref<!tpu.dma_semaphore, #tpu.memory_space<semaphore_mem>>) src(%dma_wait3A_128 : memref<1000000x64xf32, #tpu.memory_space<hbm>>) dst(%dma_wait3A_122 : memref<128x64xf32, #tpu.memory_space<vmem>>)
    %dma_wait3A_129 = arith.constant 2 : i32
    %dma_wait3A_130 = arith.constant 0 : i32
    %dma_wait3A_131 = arith.constant 256 : i32
    %dma_wait3A_132 = arith.constant 0 : i32
    %dma_wait3A_133 = tpu.memref_slice %arg13[%dma_wait3A_130, %dma_wait3A_131, %dma_wait3A_132] : memref<2x512x64xf32, #tpu.memory_space<vmem>> -> memref<1x128x64xf32, #tpu.memory_space<vmem>>
    %dma_wait3A_134 = tpu.memref_squeeze %dma_wait3A_133 : memref<1x128x64xf32, #tpu.memory_space<vmem>> -> memref<128x64xf32, #tpu.memory_space<vmem>>
    %dma_wait3A_135 = arith.constant 0 : i32
    %dma_wait3A_136 = tpu.memref_slice %arg10[%dma_wait3A_129, %dma_wait3A_135] : memref<4x128xi32, #tpu.memory_space<vmem>> -> memref<1x128xi32, #tpu.memory_space<vmem>>
    %dma_wait3A_137 = tpu.memref_squeeze %dma_wait3A_136 : memref<1x128xi32, #tpu.memory_space<vmem>> -> memref<128xi32, #tpu.memory_space<vmem>>
    %dma_wait3A_138 = arith.constant 0 : i32
    %dma_wait3A_139 = arith.constant 0 : i32
    %dma_wait3A_140 = tpu.memref_slice %arg5[%dma_wait3A_138, %dma_wait3A_139] : memref<1000000x64xf32, #tpu.memory_space<hbm>> -> memref<1000000x64xf32, #tpu.memory_space<hbm>>
    tpu.wait_indirect_dma semaphore(%arg14 : memref<!tpu.dma_semaphore, #tpu.memory_space<semaphore_mem>>) src(%dma_wait3A_140 : memref<1000000x64xf32, #tpu.memory_space<hbm>>) dst(%dma_wait3A_134 : memref<128x64xf32, #tpu.memory_space<vmem>>)
    %dma_wait3A_141 = arith.constant 3 : i32
    %dma_wait3A_142 = arith.constant 0 : i32
    %dma_wait3A_143 = arith.constant 384 : i32
    %dma_wait3A_144 = arith.constant 0 : i32
    %dma_wait3A_145 = tpu.memref_slice %arg13[%dma_wait3A_142, %dma_wait3A_143, %dma_wait3A_144] : memref<2x512x64xf32, #tpu.memory_space<vmem>> -> memref<1x128x64xf32, #tpu.memory_space<vmem>>
    %dma_wait3A_146 = tpu.memref_squeeze %dma_wait3A_145 : memref<1x128x64xf32, #tpu.memory_space<vmem>> -> memref<128x64xf32, #tpu.memory_space<vmem>>
    %dma_wait3A_147 = arith.constant 0 : i32
    %dma_wait3A_148 = tpu.memref_slice %arg10[%dma_wait3A_141, %dma_wait3A_147] : memref<4x128xi32, #tpu.memory_space<vmem>> -> memref<1x128xi32, #tpu.memory_space<vmem>>
    %dma_wait3A_149 = tpu.memref_squeeze %dma_wait3A_148 : memref<1x128xi32, #tpu.memory_space<vmem>> -> memref<128xi32, #tpu.memory_space<vmem>>
    %dma_wait3A_150 = arith.constant 0 : i32
    %dma_wait3A_151 = arith.constant 0 : i32
    %dma_wait3A_152 = tpu.memref_slice %arg5[%dma_wait3A_150, %dma_wait3A_151] : memref<1000000x64xf32, #tpu.memory_space<hbm>> -> memref<1000000x64xf32, #tpu.memory_space<hbm>>
    tpu.wait_indirect_dma semaphore(%arg14 : memref<!tpu.dma_semaphore, #tpu.memory_space<semaphore_mem>>) src(%dma_wait3A_152 : memref<1000000x64xf32, #tpu.memory_space<hbm>>) dst(%dma_wait3A_146 : memref<128x64xf32, #tpu.memory_space<vmem>>)
    %mul3A_153 = arith.constant 512 : i32
    %mul3A_154 = arith.muli %add3A, %mul3A_153 : i32
    %dma_start3A_155 = arith.constant 0 : i32
    %dma_start3A_156 = arith.constant 0 : i32
    %dma_start3A_157 = arith.constant 0 : i32
    %dma_start3A_158 = tpu.memref_slice %arg13[%dma_start3A_155, %dma_start3A_156, %dma_start3A_157] : memref<2x512x64xf32, #tpu.memory_space<vmem>> -> memref<1x512x64xf32, #tpu.memory_space<vmem>>
    %dma_start3A_159 = tpu.memref_squeeze %dma_start3A_158 : memref<1x512x64xf32, #tpu.memory_space<vmem>> -> memref<512x64xf32, #tpu.memory_space<vmem>>
    %dma_start3A_160 = arith.constant 0 : i32
    %dma_start3A_161 = tpu.memref_slice %arg7[%mul3A_154, %dma_start3A_160] : memref<16384x64xf32, #tpu.memory_space<hbm>> -> memref<512x64xf32, #tpu.memory_space<hbm>>
    %dma_start3A_162 = arith.constant 0 : i32
    %dma_start3A_163 = tpu.memref_slice %arg7[%mul3A_154, %dma_start3A_162] : memref<16384x64xf32, #tpu.memory_space<hbm>> -> memref<512x64xf32, #tpu.memory_space<hbm>>
    %dma_start3A_164 = arith.constant 0 : i32
    %dma_start3A_165 = arith.constant 0 : i32
    %dma_start3A_166 = tpu.memref_slice %arg13[%dma_start3A_155, %dma_start3A_164, %dma_start3A_165] : memref<2x512x64xf32, #tpu.memory_space<vmem>> -> memref<1x512x64xf32, #tpu.memory_space<vmem>>
    %dma_start3A_167 = tpu.memref_squeeze %dma_start3A_166 : memref<1x512x64xf32, #tpu.memory_space<vmem>> -> memref<512x64xf32, #tpu.memory_space<vmem>>
    tpu.enqueue_dma source(%dma_start3A_167 : memref<512x64xf32, #tpu.memory_space<vmem>>) target(%dma_start3A_163 : memref<512x64xf32, #tpu.memory_space<hbm>>) target_semaphore(%arg16 : memref<!tpu.dma_semaphore, #tpu.memory_space<semaphore_mem>>)
    %dma_wait3A_168 = arith.constant 0 : i32
    %dma_wait3A_169 = arith.constant 1 : i32
    %dma_wait3A_170 = arith.constant 0 : i32
    %dma_wait3A_171 = arith.constant 0 : i32
    %dma_wait3A_172 = tpu.memref_slice %arg13[%dma_wait3A_169, %dma_wait3A_170, %dma_wait3A_171] : memref<2x512x64xf32, #tpu.memory_space<vmem>> -> memref<1x128x64xf32, #tpu.memory_space<vmem>>
    %dma_wait3A_173 = tpu.memref_squeeze %dma_wait3A_172 : memref<1x128x64xf32, #tpu.memory_space<vmem>> -> memref<128x64xf32, #tpu.memory_space<vmem>>
    %dma_wait3A_174 = arith.constant 0 : i32
    %dma_wait3A_175 = tpu.memref_slice %arg11[%dma_wait3A_168, %dma_wait3A_174] : memref<4x128xi32, #tpu.memory_space<vmem>> -> memref<1x128xi32, #tpu.memory_space<vmem>>
    %dma_wait3A_176 = tpu.memref_squeeze %dma_wait3A_175 : memref<1x128xi32, #tpu.memory_space<vmem>> -> memref<128xi32, #tpu.memory_space<vmem>>
    %dma_wait3A_177 = arith.constant 0 : i32
    %dma_wait3A_178 = arith.constant 0 : i32
    %dma_wait3A_179 = tpu.memref_slice %arg6[%dma_wait3A_177, %dma_wait3A_178] : memref<1000000x64xf32, #tpu.memory_space<hbm>> -> memref<1000000x64xf32, #tpu.memory_space<hbm>>
    tpu.wait_indirect_dma semaphore(%arg15 : memref<!tpu.dma_semaphore, #tpu.memory_space<semaphore_mem>>) src(%dma_wait3A_179 : memref<1000000x64xf32, #tpu.memory_space<hbm>>) dst(%dma_wait3A_173 : memref<128x64xf32, #tpu.memory_space<vmem>>)
    %dma_wait3A_180 = arith.constant 1 : i32
    %dma_wait3A_181 = arith.constant 1 : i32
    %dma_wait3A_182 = arith.constant 128 : i32
    %dma_wait3A_183 = arith.constant 0 : i32
    %dma_wait3A_184 = tpu.memref_slice %arg13[%dma_wait3A_181, %dma_wait3A_182, %dma_wait3A_183] : memref<2x512x64xf32, #tpu.memory_space<vmem>> -> memref<1x128x64xf32, #tpu.memory_space<vmem>>
    %dma_wait3A_185 = tpu.memref_squeeze %dma_wait3A_184 : memref<1x128x64xf32, #tpu.memory_space<vmem>> -> memref<128x64xf32, #tpu.memory_space<vmem>>
    %dma_wait3A_186 = arith.constant 0 : i32
    %dma_wait3A_187 = tpu.memref_slice %arg11[%dma_wait3A_180, %dma_wait3A_186] : memref<4x128xi32, #tpu.memory_space<vmem>> -> memref<1x128xi32, #tpu.memory_space<vmem>>
    %dma_wait3A_188 = tpu.memref_squeeze %dma_wait3A_187 : memref<1x128xi32, #tpu.memory_space<vmem>> -> memref<128xi32, #tpu.memory_space<vmem>>
    %dma_wait3A_189 = arith.constant 0 : i32
    %dma_wait3A_190 = arith.constant 0 : i32
    %dma_wait3A_191 = tpu.memref_slice %arg6[%dma_wait3A_189, %dma_wait3A_190] : memref<1000000x64xf32, #tpu.memory_space<hbm>> -> memref<1000000x64xf32, #tpu.memory_space<hbm>>
    tpu.wait_indirect_dma semaphore(%arg15 : memref<!tpu.dma_semaphore, #tpu.memory_space<semaphore_mem>>) src(%dma_wait3A_191 : memref<1000000x64xf32, #tpu.memory_space<hbm>>) dst(%dma_wait3A_185 : memref<128x64xf32, #tpu.memory_space<vmem>>)
    %dma_wait3A_192 = arith.constant 2 : i32
    %dma_wait3A_193 = arith.constant 1 : i32
    %dma_wait3A_194 = arith.constant 256 : i32
    %dma_wait3A_195 = arith.constant 0 : i32
    %dma_wait3A_196 = tpu.memref_slice %arg13[%dma_wait3A_193, %dma_wait3A_194, %dma_wait3A_195] : memref<2x512x64xf32, #tpu.memory_space<vmem>> -> memref<1x128x64xf32, #tpu.memory_space<vmem>>
    %dma_wait3A_197 = tpu.memref_squeeze %dma_wait3A_196 : memref<1x128x64xf32, #tpu.memory_space<vmem>> -> memref<128x64xf32, #tpu.memory_space<vmem>>
    %dma_wait3A_198 = arith.constant 0 : i32
    %dma_wait3A_199 = tpu.memref_slice %arg11[%dma_wait3A_192, %dma_wait3A_198] : memref<4x128xi32, #tpu.memory_space<vmem>> -> memref<1x128xi32, #tpu.memory_space<vmem>>
    %dma_wait3A_200 = tpu.memref_squeeze %dma_wait3A_199 : memref<1x128xi32, #tpu.memory_space<vmem>> -> memref<128xi32, #tpu.memory_space<vmem>>
    %dma_wait3A_201 = arith.constant 0 : i32
    %dma_wait3A_202 = arith.constant 0 : i32
    %dma_wait3A_203 = tpu.memref_slice %arg6[%dma_wait3A_201, %dma_wait3A_202] : memref<1000000x64xf32, #tpu.memory_space<hbm>> -> memref<1000000x64xf32, #tpu.memory_space<hbm>>
    tpu.wait_indirect_dma semaphore(%arg15 : memref<!tpu.dma_semaphore, #tpu.memory_space<semaphore_mem>>) src(%dma_wait3A_203 : memref<1000000x64xf32, #tpu.memory_space<hbm>>) dst(%dma_wait3A_197 : memref<128x64xf32, #tpu.memory_space<vmem>>)
    %dma_wait3A_204 = arith.constant 3 : i32
    %dma_wait3A_205 = arith.constant 1 : i32
    %dma_wait3A_206 = arith.constant 384 : i32
    %dma_wait3A_207 = arith.constant 0 : i32
    %dma_wait3A_208 = tpu.memref_slice %arg13[%dma_wait3A_205, %dma_wait3A_206, %dma_wait3A_207] : memref<2x512x64xf32, #tpu.memory_space<vmem>> -> memref<1x128x64xf32, #tpu.memory_space<vmem>>
    %dma_wait3A_209 = tpu.memref_squeeze %dma_wait3A_208 : memref<1x128x64xf32, #tpu.memory_space<vmem>> -> memref<128x64xf32, #tpu.memory_space<vmem>>
    %dma_wait3A_210 = arith.constant 0 : i32
    %dma_wait3A_211 = tpu.memref_slice %arg11[%dma_wait3A_204, %dma_wait3A_210] : memref<4x128xi32, #tpu.memory_space<vmem>> -> memref<1x128xi32, #tpu.memory_space<vmem>>
    %dma_wait3A_212 = tpu.memref_squeeze %dma_wait3A_211 : memref<1x128xi32, #tpu.memory_space<vmem>> -> memref<128xi32, #tpu.memory_space<vmem>>
    %dma_wait3A_213 = arith.constant 0 : i32
    %dma_wait3A_214 = arith.constant 0 : i32
    %dma_wait3A_215 = tpu.memref_slice %arg6[%dma_wait3A_213, %dma_wait3A_214] : memref<1000000x64xf32, #tpu.memory_space<hbm>> -> memref<1000000x64xf32, #tpu.memory_space<hbm>>
    tpu.wait_indirect_dma semaphore(%arg15 : memref<!tpu.dma_semaphore, #tpu.memory_space<semaphore_mem>>) src(%dma_wait3A_215 : memref<1000000x64xf32, #tpu.memory_space<hbm>>) dst(%dma_wait3A_209 : memref<128x64xf32, #tpu.memory_space<vmem>>)
    %mul3A_216 = arith.constant 512 : i32
    %mul3A_217 = arith.muli %add3A, %mul3A_216 : i32
    %dma_start3A_218 = arith.constant 1 : i32
    %dma_start3A_219 = arith.constant 0 : i32
    %dma_start3A_220 = arith.constant 0 : i32
    %dma_start3A_221 = tpu.memref_slice %arg13[%dma_start3A_218, %dma_start3A_219, %dma_start3A_220] : memref<2x512x64xf32, #tpu.memory_space<vmem>> -> memref<1x512x64xf32, #tpu.memory_space<vmem>>
    %dma_start3A_222 = tpu.memref_squeeze %dma_start3A_221 : memref<1x512x64xf32, #tpu.memory_space<vmem>> -> memref<512x64xf32, #tpu.memory_space<vmem>>
    %dma_start3A_223 = arith.constant 0 : i32
    %dma_start3A_224 = tpu.memref_slice %arg8[%mul3A_217, %dma_start3A_223] : memref<16384x64xf32, #tpu.memory_space<hbm>> -> memref<512x64xf32, #tpu.memory_space<hbm>>
    %dma_start3A_225 = arith.constant 0 : i32
    %dma_start3A_226 = tpu.memref_slice %arg8[%mul3A_217, %dma_start3A_225] : memref<16384x64xf32, #tpu.memory_space<hbm>> -> memref<512x64xf32, #tpu.memory_space<hbm>>
    %dma_start3A_227 = arith.constant 0 : i32
    %dma_start3A_228 = arith.constant 0 : i32
    %dma_start3A_229 = tpu.memref_slice %arg13[%dma_start3A_218, %dma_start3A_227, %dma_start3A_228] : memref<2x512x64xf32, #tpu.memory_space<vmem>> -> memref<1x512x64xf32, #tpu.memory_space<vmem>>
    %dma_start3A_230 = tpu.memref_squeeze %dma_start3A_229 : memref<1x512x64xf32, #tpu.memory_space<vmem>> -> memref<512x64xf32, #tpu.memory_space<vmem>>
    tpu.enqueue_dma source(%dma_start3A_230 : memref<512x64xf32, #tpu.memory_space<vmem>>) target(%dma_start3A_226 : memref<512x64xf32, #tpu.memory_space<hbm>>) target_semaphore(%arg17 : memref<!tpu.dma_semaphore, #tpu.memory_space<semaphore_mem>>)
    %dma_wait3A_231 = arith.constant 0 : i32
    %dma_wait3A_232 = arith.constant 0 : i32
    %dma_wait3A_233 = arith.constant 0 : i32
    %dma_wait3A_234 = tpu.memref_slice %arg13[%dma_wait3A_231, %dma_wait3A_232, %dma_wait3A_233] : memref<2x512x64xf32, #tpu.memory_space<vmem>> -> memref<1x512x64xf32, #tpu.memory_space<vmem>>
    %dma_wait3A_235 = tpu.memref_squeeze %dma_wait3A_234 : memref<1x512x64xf32, #tpu.memory_space<vmem>> -> memref<512x64xf32, #tpu.memory_space<vmem>>
    %dma_wait3A_236 = arith.constant 0 : i32
    %dma_wait3A_237 = tpu.memref_slice %arg7[%mul3A_154, %dma_wait3A_236] : memref<16384x64xf32, #tpu.memory_space<hbm>> -> memref<512x64xf32, #tpu.memory_space<hbm>>
    %dma_wait3A_238 = arith.constant 0 : i32
    %dma_wait3A_239 = tpu.memref_slice %arg7[%mul3A_154, %dma_wait3A_238] : memref<16384x64xf32, #tpu.memory_space<hbm>> -> memref<512x64xf32, #tpu.memory_space<hbm>>
    %dma_wait3A_240 = arith.constant 0 : i32
    %dma_wait3A_241 = arith.constant 0 : i32
    %dma_wait3A_242 = tpu.memref_slice %arg13[%dma_wait3A_231, %dma_wait3A_240, %dma_wait3A_241] : memref<2x512x64xf32, #tpu.memory_space<vmem>> -> memref<1x512x64xf32, #tpu.memory_space<vmem>>
    %dma_wait3A_243 = tpu.memref_squeeze %dma_wait3A_242 : memref<1x512x64xf32, #tpu.memory_space<vmem>> -> memref<512x64xf32, #tpu.memory_space<vmem>>
    tpu.wait_dma2 semaphore(%arg16 : memref<!tpu.dma_semaphore, #tpu.memory_space<semaphore_mem>>) src(%dma_wait3A_243 : memref<512x64xf32, #tpu.memory_space<vmem>>) dst(%dma_wait3A_239 : memref<512x64xf32, #tpu.memory_space<hbm>>)
    %dma_start3A_244 = arith.constant 0 : i32
    %dma_start3A_245 = arith.constant 0 : i32
    %dma_start3A_246 = arith.constant 0 : i32
    %dma_start3A_247 = arith.constant 0 : i32
    %dma_start3A_248 = tpu.memref_slice %arg13[%dma_start3A_245, %dma_start3A_246, %dma_start3A_247] : memref<2x512x64xf32, #tpu.memory_space<vmem>> -> memref<1x128x64xf32, #tpu.memory_space<vmem>>
    %dma_start3A_249 = tpu.memref_squeeze %dma_start3A_248 : memref<1x128x64xf32, #tpu.memory_space<vmem>> -> memref<128x64xf32, #tpu.memory_space<vmem>>
    %dma_start3A_250 = arith.constant 0 : i32
    %dma_start3A_251 = tpu.memref_slice %arg12[%dma_start3A_244, %dma_start3A_250] : memref<80x128xi32, #tpu.memory_space<vmem>> -> memref<1x128xi32, #tpu.memory_space<vmem>>
    %dma_start3A_252 = tpu.memref_squeeze %dma_start3A_251 : memref<1x128xi32, #tpu.memory_space<vmem>> -> memref<128xi32, #tpu.memory_space<vmem>>
    %dma_start3A_253 = arith.constant 0 : i32
    %dma_start3A_254 = arith.constant 0 : i32
    %dma_start3A_255 = tpu.memref_slice %arg6[%dma_start3A_253, %dma_start3A_254] : memref<1000000x64xf32, #tpu.memory_space<hbm>> -> memref<1000000x64xf32, #tpu.memory_space<hbm>>
    tpu.enqueue_indirect_dma source(%dma_start3A_255 : memref<1000000x64xf32, #tpu.memory_space<hbm>>) target(%dma_start3A_249 : memref<128x64xf32, #tpu.memory_space<vmem>>) offsets(%dma_start3A_252 : memref<128xi32, #tpu.memory_space<vmem>>) semaphore(%arg14 : memref<!tpu.dma_semaphore, #tpu.memory_space<semaphore_mem>>)
    %dma_start3A_256 = arith.constant 1 : i32
    %dma_start3A_257 = arith.constant 0 : i32
    %dma_start3A_258 = arith.constant 128 : i32
    %dma_start3A_259 = arith.constant 0 : i32
    %dma_start3A_260 = tpu.memref_slice %arg13[%dma_start3A_257, %dma_start3A_258, %dma_start3A_259] : memref<2x512x64xf32, #tpu.memory_space<vmem>> -> memref<1x128x64xf32, #tpu.memory_space<vmem>>
    %dma_start3A_261 = tpu.memref_squeeze %dma_start3A_260 : memref<1x128x64xf32, #tpu.memory_space<vmem>> -> memref<128x64xf32, #tpu.memory_space<vmem>>
    %dma_start3A_262 = arith.constant 0 : i32
    %dma_start3A_263 = tpu.memref_slice %arg12[%dma_start3A_256, %dma_start3A_262] : memref<80x128xi32, #tpu.memory_space<vmem>> -> memref<1x128xi32, #tpu.memory_space<vmem>>
    %dma_start3A_264 = tpu.memref_squeeze %dma_start3A_263 : memref<1x128xi32, #tpu.memory_space<vmem>> -> memref<128xi32, #tpu.memory_space<vmem>>
    %dma_start3A_265 = arith.constant 0 : i32
    %dma_start3A_266 = arith.constant 0 : i32
    %dma_start3A_267 = tpu.memref_slice %arg6[%dma_start3A_265, %dma_start3A_266] : memref<1000000x64xf32, #tpu.memory_space<hbm>> -> memref<1000000x64xf32, #tpu.memory_space<hbm>>
    tpu.enqueue_indirect_dma source(%dma_start3A_267 : memref<1000000x64xf32, #tpu.memory_space<hbm>>) target(%dma_start3A_261 : memref<128x64xf32, #tpu.memory_space<vmem>>) offsets(%dma_start3A_264 : memref<128xi32, #tpu.memory_space<vmem>>) semaphore(%arg14 : memref<!tpu.dma_semaphore, #tpu.memory_space<semaphore_mem>>)
    %dma_start3A_268 = arith.constant 2 : i32
    %dma_start3A_269 = arith.constant 0 : i32
    %dma_start3A_270 = arith.constant 256 : i32
    %dma_start3A_271 = arith.constant 0 : i32
    %dma_start3A_272 = tpu.memref_slice %arg13[%dma_start3A_269, %dma_start3A_270, %dma_start3A_271] : memref<2x512x64xf32, #tpu.memory_space<vmem>> -> memref<1x128x64xf32, #tpu.memory_space<vmem>>
    %dma_start3A_273 = tpu.memref_squeeze %dma_start3A_272 : memref<1x128x64xf32, #tpu.memory_space<vmem>> -> memref<128x64xf32, #tpu.memory_space<vmem>>
    %dma_start3A_274 = arith.constant 0 : i32
    %dma_start3A_275 = tpu.memref_slice %arg12[%dma_start3A_268, %dma_start3A_274] : memref<80x128xi32, #tpu.memory_space<vmem>> -> memref<1x128xi32, #tpu.memory_space<vmem>>
    %dma_start3A_276 = tpu.memref_squeeze %dma_start3A_275 : memref<1x128xi32, #tpu.memory_space<vmem>> -> memref<128xi32, #tpu.memory_space<vmem>>
    %dma_start3A_277 = arith.constant 0 : i32
    %dma_start3A_278 = arith.constant 0 : i32
    %dma_start3A_279 = tpu.memref_slice %arg6[%dma_start3A_277, %dma_start3A_278] : memref<1000000x64xf32, #tpu.memory_space<hbm>> -> memref<1000000x64xf32, #tpu.memory_space<hbm>>
    tpu.enqueue_indirect_dma source(%dma_start3A_279 : memref<1000000x64xf32, #tpu.memory_space<hbm>>) target(%dma_start3A_273 : memref<128x64xf32, #tpu.memory_space<vmem>>) offsets(%dma_start3A_276 : memref<128xi32, #tpu.memory_space<vmem>>) semaphore(%arg14 : memref<!tpu.dma_semaphore, #tpu.memory_space<semaphore_mem>>)
    %dma_start3A_280 = arith.constant 3 : i32
    %dma_start3A_281 = arith.constant 0 : i32
    %dma_start3A_282 = arith.constant 384 : i32
    %dma_start3A_283 = arith.constant 0 : i32
    %dma_start3A_284 = tpu.memref_slice %arg13[%dma_start3A_281, %dma_start3A_282, %dma_start3A_283] : memref<2x512x64xf32, #tpu.memory_space<vmem>> -> memref<1x128x64xf32, #tpu.memory_space<vmem>>
    %dma_start3A_285 = tpu.memref_squeeze %dma_start3A_284 : memref<1x128x64xf32, #tpu.memory_space<vmem>> -> memref<128x64xf32, #tpu.memory_space<vmem>>
    %dma_start3A_286 = arith.constant 0 : i32
    %dma_start3A_287 = tpu.memref_slice %arg12[%dma_start3A_280, %dma_start3A_286] : memref<80x128xi32, #tpu.memory_space<vmem>> -> memref<1x128xi32, #tpu.memory_space<vmem>>
    %dma_start3A_288 = tpu.memref_squeeze %dma_start3A_287 : memref<1x128xi32, #tpu.memory_space<vmem>> -> memref<128xi32, #tpu.memory_space<vmem>>
    %dma_start3A_289 = arith.constant 0 : i32
    %dma_start3A_290 = arith.constant 0 : i32
    %dma_start3A_291 = tpu.memref_slice %arg6[%dma_start3A_289, %dma_start3A_290] : memref<1000000x64xf32, #tpu.memory_space<hbm>> -> memref<1000000x64xf32, #tpu.memory_space<hbm>>
    tpu.enqueue_indirect_dma source(%dma_start3A_291 : memref<1000000x64xf32, #tpu.memory_space<hbm>>) target(%dma_start3A_285 : memref<128x64xf32, #tpu.memory_space<vmem>>) offsets(%dma_start3A_288 : memref<128xi32, #tpu.memory_space<vmem>>) semaphore(%arg14 : memref<!tpu.dma_semaphore, #tpu.memory_space<semaphore_mem>>)
    %dma_wait3A_292 = arith.constant 0 : i32
    %dma_wait3A_293 = arith.constant 0 : i32
    %dma_wait3A_294 = arith.constant 0 : i32
    %dma_wait3A_295 = arith.constant 0 : i32
    %dma_wait3A_296 = tpu.memref_slice %arg13[%dma_wait3A_293, %dma_wait3A_294, %dma_wait3A_295] : memref<2x512x64xf32, #tpu.memory_space<vmem>> -> memref<1x128x64xf32, #tpu.memory_space<vmem>>
    %dma_wait3A_297 = tpu.memref_squeeze %dma_wait3A_296 : memref<1x128x64xf32, #tpu.memory_space<vmem>> -> memref<128x64xf32, #tpu.memory_space<vmem>>
    %dma_wait3A_298 = arith.constant 0 : i32
    %dma_wait3A_299 = tpu.memref_slice %arg12[%dma_wait3A_292, %dma_wait3A_298] : memref<80x128xi32, #tpu.memory_space<vmem>> -> memref<1x128xi32, #tpu.memory_space<vmem>>
    %dma_wait3A_300 = tpu.memref_squeeze %dma_wait3A_299 : memref<1x128xi32, #tpu.memory_space<vmem>> -> memref<128xi32, #tpu.memory_space<vmem>>
    %dma_wait3A_301 = arith.constant 0 : i32
    %dma_wait3A_302 = arith.constant 0 : i32
    %dma_wait3A_303 = tpu.memref_slice %arg6[%dma_wait3A_301, %dma_wait3A_302] : memref<1000000x64xf32, #tpu.memory_space<hbm>> -> memref<1000000x64xf32, #tpu.memory_space<hbm>>
    tpu.wait_indirect_dma semaphore(%arg14 : memref<!tpu.dma_semaphore, #tpu.memory_space<semaphore_mem>>) src(%dma_wait3A_303 : memref<1000000x64xf32, #tpu.memory_space<hbm>>) dst(%dma_wait3A_297 : memref<128x64xf32, #tpu.memory_space<vmem>>)
    %dma_wait3A_304 = arith.constant 1 : i32
    %dma_wait3A_305 = arith.constant 0 : i32
    %dma_wait3A_306 = arith.constant 128 : i32
    %dma_wait3A_307 = arith.constant 0 : i32
    %dma_wait3A_308 = tpu.memref_slice %arg13[%dma_wait3A_305, %dma_wait3A_306, %dma_wait3A_307] : memref<2x512x64xf32, #tpu.memory_space<vmem>> -> memref<1x128x64xf32, #tpu.memory_space<vmem>>
    %dma_wait3A_309 = tpu.memref_squeeze %dma_wait3A_308 : memref<1x128x64xf32, #tpu.memory_space<vmem>> -> memref<128x64xf32, #tpu.memory_space<vmem>>
    %dma_wait3A_310 = arith.constant 0 : i32
    %dma_wait3A_311 = tpu.memref_slice %arg12[%dma_wait3A_304, %dma_wait3A_310] : memref<80x128xi32, #tpu.memory_space<vmem>> -> memref<1x128xi32, #tpu.memory_space<vmem>>
    %dma_wait3A_312 = tpu.memref_squeeze %dma_wait3A_311 : memref<1x128xi32, #tpu.memory_space<vmem>> -> memref<128xi32, #tpu.memory_space<vmem>>
    %dma_wait3A_313 = arith.constant 0 : i32
    %dma_wait3A_314 = arith.constant 0 : i32
    %dma_wait3A_315 = tpu.memref_slice %arg6[%dma_wait3A_313, %dma_wait3A_314] : memref<1000000x64xf32, #tpu.memory_space<hbm>> -> memref<1000000x64xf32, #tpu.memory_space<hbm>>
    tpu.wait_indirect_dma semaphore(%arg14 : memref<!tpu.dma_semaphore, #tpu.memory_space<semaphore_mem>>) src(%dma_wait3A_315 : memref<1000000x64xf32, #tpu.memory_space<hbm>>) dst(%dma_wait3A_309 : memref<128x64xf32, #tpu.memory_space<vmem>>)
    %dma_wait3A_316 = arith.constant 2 : i32
    %dma_wait3A_317 = arith.constant 0 : i32
    %dma_wait3A_318 = arith.constant 256 : i32
    %dma_wait3A_319 = arith.constant 0 : i32
    %dma_wait3A_320 = tpu.memref_slice %arg13[%dma_wait3A_317, %dma_wait3A_318, %dma_wait3A_319] : memref<2x512x64xf32, #tpu.memory_space<vmem>> -> memref<1x128x64xf32, #tpu.memory_space<vmem>>
    %dma_wait3A_321 = tpu.memref_squeeze %dma_wait3A_320 : memref<1x128x64xf32, #tpu.memory_space<vmem>> -> memref<128x64xf32, #tpu.memory_space<vmem>>
    %dma_wait3A_322 = arith.constant 0 : i32
    %dma_wait3A_323 = tpu.memref_slice %arg12[%dma_wait3A_316, %dma_wait3A_322] : memref<80x128xi32, #tpu.memory_space<vmem>> -> memref<1x128xi32, #tpu.memory_space<vmem>>
    %dma_wait3A_324 = tpu.memref_squeeze %dma_wait3A_323 : memref<1x128xi32, #tpu.memory_space<vmem>> -> memref<128xi32, #tpu.memory_space<vmem>>
    %dma_wait3A_325 = arith.constant 0 : i32
    %dma_wait3A_326 = arith.constant 0 : i32
    %dma_wait3A_327 = tpu.memref_slice %arg6[%dma_wait3A_325, %dma_wait3A_326] : memref<1000000x64xf32, #tpu.memory_space<hbm>> -> memref<1000000x64xf32, #tpu.memory_space<hbm>>
    tpu.wait_indirect_dma semaphore(%arg14 : memref<!tpu.dma_semaphore, #tpu.memory_space<semaphore_mem>>) src(%dma_wait3A_327 : memref<1000000x64xf32, #tpu.memory_space<hbm>>) dst(%dma_wait3A_321 : memref<128x64xf32, #tpu.memory_space<vmem>>)
    %dma_wait3A_328 = arith.constant 3 : i32
    %dma_wait3A_329 = arith.constant 0 : i32
    %dma_wait3A_330 = arith.constant 384 : i32
    %dma_wait3A_331 = arith.constant 0 : i32
    %dma_wait3A_332 = tpu.memref_slice %arg13[%dma_wait3A_329, %dma_wait3A_330, %dma_wait3A_331] : memref<2x512x64xf32, #tpu.memory_space<vmem>> -> memref<1x128x64xf32, #tpu.memory_space<vmem>>
    %dma_wait3A_333 = tpu.memref_squeeze %dma_wait3A_332 : memref<1x128x64xf32, #tpu.memory_space<vmem>> -> memref<128x64xf32, #tpu.memory_space<vmem>>
    %dma_wait3A_334 = arith.constant 0 : i32
    %dma_wait3A_335 = tpu.memref_slice %arg12[%dma_wait3A_328, %dma_wait3A_334] : memref<80x128xi32, #tpu.memory_space<vmem>> -> memref<1x128xi32, #tpu.memory_space<vmem>>
    %dma_wait3A_336 = tpu.memref_squeeze %dma_wait3A_335 : memref<1x128xi32, #tpu.memory_space<vmem>> -> memref<128xi32, #tpu.memory_space<vmem>>
    %dma_wait3A_337 = arith.constant 0 : i32
    %dma_wait3A_338 = arith.constant 0 : i32
    %dma_wait3A_339 = tpu.memref_slice %arg6[%dma_wait3A_337, %dma_wait3A_338] : memref<1000000x64xf32, #tpu.memory_space<hbm>> -> memref<1000000x64xf32, #tpu.memory_space<hbm>>
    tpu.wait_indirect_dma semaphore(%arg14 : memref<!tpu.dma_semaphore, #tpu.memory_space<semaphore_mem>>) src(%dma_wait3A_339 : memref<1000000x64xf32, #tpu.memory_space<hbm>>) dst(%dma_wait3A_333 : memref<128x64xf32, #tpu.memory_space<vmem>>)
    %add3A_340 = arith.constant 0 : i32
    %add3A_341 = arith.addi %mul3A_4, %add3A_340 : i32
    %dma_start3A_342 = arith.constant 0 : i32
    %dma_start3A_343 = arith.constant 0 : i32
    %dma_start3A_344 = arith.constant 0 : i32
    %dma_start3A_345 = tpu.memref_slice %arg13[%dma_start3A_342, %dma_start3A_343, %dma_start3A_344] : memref<2x512x64xf32, #tpu.memory_space<vmem>> -> memref<1x512x64xf32, #tpu.memory_space<vmem>>
    %dma_start3A_346 = tpu.memref_squeeze %dma_start3A_345 : memref<1x512x64xf32, #tpu.memory_space<vmem>> -> memref<512x64xf32, #tpu.memory_space<vmem>>
    %dma_start3A_347 = arith.constant 0 : i32
    %dma_start3A_348 = tpu.memref_slice %arg9[%add3A_341, %dma_start3A_347] : memref<327680x64xf32, #tpu.memory_space<hbm>> -> memref<512x64xf32, #tpu.memory_space<hbm>>
    %dma_start3A_349 = arith.constant 0 : i32
    %dma_start3A_350 = tpu.memref_slice %arg9[%add3A_341, %dma_start3A_349] : memref<327680x64xf32, #tpu.memory_space<hbm>> -> memref<512x64xf32, #tpu.memory_space<hbm>>
    %dma_start3A_351 = arith.constant 0 : i32
    %dma_start3A_352 = arith.constant 0 : i32
    %dma_start3A_353 = tpu.memref_slice %arg13[%dma_start3A_342, %dma_start3A_351, %dma_start3A_352] : memref<2x512x64xf32, #tpu.memory_space<vmem>> -> memref<1x512x64xf32, #tpu.memory_space<vmem>>
    %dma_start3A_354 = tpu.memref_squeeze %dma_start3A_353 : memref<1x512x64xf32, #tpu.memory_space<vmem>> -> memref<512x64xf32, #tpu.memory_space<vmem>>
    tpu.enqueue_dma source(%dma_start3A_354 : memref<512x64xf32, #tpu.memory_space<vmem>>) target(%dma_start3A_350 : memref<512x64xf32, #tpu.memory_space<hbm>>) target_semaphore(%arg16 : memref<!tpu.dma_semaphore, #tpu.memory_space<semaphore_mem>>)
    %dma_wait3A_355 = arith.constant 1 : i32
    %dma_wait3A_356 = arith.constant 0 : i32
    %dma_wait3A_357 = arith.constant 0 : i32
    %dma_wait3A_358 = tpu.memref_slice %arg13[%dma_wait3A_355, %dma_wait3A_356, %dma_wait3A_357] : memref<2x512x64xf32, #tpu.memory_space<vmem>> -> memref<1x512x64xf32, #tpu.memory_space<vmem>>
    %dma_wait3A_359 = tpu.memref_squeeze %dma_wait3A_358 : memref<1x512x64xf32, #tpu.memory_space<vmem>> -> memref<512x64xf32, #tpu.memory_space<vmem>>
    %dma_wait3A_360 = arith.constant 0 : i32
    %dma_wait3A_361 = tpu.memref_slice %arg8[%mul3A_217, %dma_wait3A_360] : memref<16384x64xf32, #tpu.memory_space<hbm>> -> memref<512x64xf32, #tpu.memory_space<hbm>>
    %dma_wait3A_362 = arith.constant 0 : i32
    %dma_wait3A_363 = tpu.memref_slice %arg8[%mul3A_217, %dma_wait3A_362] : memref<16384x64xf32, #tpu.memory_space<hbm>> -> memref<512x64xf32, #tpu.memory_space<hbm>>
    %dma_wait3A_364 = arith.constant 0 : i32
    %dma_wait3A_365 = arith.constant 0 : i32
    %dma_wait3A_366 = tpu.memref_slice %arg13[%dma_wait3A_355, %dma_wait3A_364, %dma_wait3A_365] : memref<2x512x64xf32, #tpu.memory_space<vmem>> -> memref<1x512x64xf32, #tpu.memory_space<vmem>>
    %dma_wait3A_367 = tpu.memref_squeeze %dma_wait3A_366 : memref<1x512x64xf32, #tpu.memory_space<vmem>> -> memref<512x64xf32, #tpu.memory_space<vmem>>
    tpu.wait_dma2 semaphore(%arg17 : memref<!tpu.dma_semaphore, #tpu.memory_space<semaphore_mem>>) src(%dma_wait3A_367 : memref<512x64xf32, #tpu.memory_space<vmem>>) dst(%dma_wait3A_363 : memref<512x64xf32, #tpu.memory_space<hbm>>)
    %dma_start3A_368 = arith.constant 4 : i32
    %dma_start3A_369 = arith.constant 1 : i32
    %dma_start3A_370 = arith.constant 0 : i32
    %dma_start3A_371 = arith.constant 0 : i32
    %dma_start3A_372 = tpu.memref_slice %arg13[%dma_start3A_369, %dma_start3A_370, %dma_start3A_371] : memref<2x512x64xf32, #tpu.memory_space<vmem>> -> memref<1x128x64xf32, #tpu.memory_space<vmem>>
    %dma_start3A_373 = tpu.memref_squeeze %dma_start3A_372 : memref<1x128x64xf32, #tpu.memory_space<vmem>> -> memref<128x64xf32, #tpu.memory_space<vmem>>
    %dma_start3A_374 = arith.constant 0 : i32
    %dma_start3A_375 = tpu.memref_slice %arg12[%dma_start3A_368, %dma_start3A_374] : memref<80x128xi32, #tpu.memory_space<vmem>> -> memref<1x128xi32, #tpu.memory_space<vmem>>
    %dma_start3A_376 = tpu.memref_squeeze %dma_start3A_375 : memref<1x128xi32, #tpu.memory_space<vmem>> -> memref<128xi32, #tpu.memory_space<vmem>>
    %dma_start3A_377 = arith.constant 0 : i32
    %dma_start3A_378 = arith.constant 0 : i32
    %dma_start3A_379 = tpu.memref_slice %arg6[%dma_start3A_377, %dma_start3A_378] : memref<1000000x64xf32, #tpu.memory_space<hbm>> -> memref<1000000x64xf32, #tpu.memory_space<hbm>>
    tpu.enqueue_indirect_dma source(%dma_start3A_379 : memref<1000000x64xf32, #tpu.memory_space<hbm>>) target(%dma_start3A_373 : memref<128x64xf32, #tpu.memory_space<vmem>>) offsets(%dma_start3A_376 : memref<128xi32, #tpu.memory_space<vmem>>) semaphore(%arg15 : memref<!tpu.dma_semaphore, #tpu.memory_space<semaphore_mem>>)
    %dma_start3A_380 = arith.constant 5 : i32
    %dma_start3A_381 = arith.constant 1 : i32
    %dma_start3A_382 = arith.constant 128 : i32
    %dma_start3A_383 = arith.constant 0 : i32
    %dma_start3A_384 = tpu.memref_slice %arg13[%dma_start3A_381, %dma_start3A_382, %dma_start3A_383] : memref<2x512x64xf32, #tpu.memory_space<vmem>> -> memref<1x128x64xf32, #tpu.memory_space<vmem>>
    %dma_start3A_385 = tpu.memref_squeeze %dma_start3A_384 : memref<1x128x64xf32, #tpu.memory_space<vmem>> -> memref<128x64xf32, #tpu.memory_space<vmem>>
    %dma_start3A_386 = arith.constant 0 : i32
    %dma_start3A_387 = tpu.memref_slice %arg12[%dma_start3A_380, %dma_start3A_386] : memref<80x128xi32, #tpu.memory_space<vmem>> -> memref<1x128xi32, #tpu.memory_space<vmem>>
    %dma_start3A_388 = tpu.memref_squeeze %dma_start3A_387 : memref<1x128xi32, #tpu.memory_space<vmem>> -> memref<128xi32, #tpu.memory_space<vmem>>
    %dma_start3A_389 = arith.constant 0 : i32
    %dma_start3A_390 = arith.constant 0 : i32
    %dma_start3A_391 = tpu.memref_slice %arg6[%dma_start3A_389, %dma_start3A_390] : memref<1000000x64xf32, #tpu.memory_space<hbm>> -> memref<1000000x64xf32, #tpu.memory_space<hbm>>
    tpu.enqueue_indirect_dma source(%dma_start3A_391 : memref<1000000x64xf32, #tpu.memory_space<hbm>>) target(%dma_start3A_385 : memref<128x64xf32, #tpu.memory_space<vmem>>) offsets(%dma_start3A_388 : memref<128xi32, #tpu.memory_space<vmem>>) semaphore(%arg15 : memref<!tpu.dma_semaphore, #tpu.memory_space<semaphore_mem>>)
    %dma_start3A_392 = arith.constant 6 : i32
    %dma_start3A_393 = arith.constant 1 : i32
    %dma_start3A_394 = arith.constant 256 : i32
    %dma_start3A_395 = arith.constant 0 : i32
    %dma_start3A_396 = tpu.memref_slice %arg13[%dma_start3A_393, %dma_start3A_394, %dma_start3A_395] : memref<2x512x64xf32, #tpu.memory_space<vmem>> -> memref<1x128x64xf32, #tpu.memory_space<vmem>>
    %dma_start3A_397 = tpu.memref_squeeze %dma_start3A_396 : memref<1x128x64xf32, #tpu.memory_space<vmem>> -> memref<128x64xf32, #tpu.memory_space<vmem>>
    %dma_start3A_398 = arith.constant 0 : i32
    %dma_start3A_399 = tpu.memref_slice %arg12[%dma_start3A_392, %dma_start3A_398] : memref<80x128xi32, #tpu.memory_space<vmem>> -> memref<1x128xi32, #tpu.memory_space<vmem>>
    %dma_start3A_400 = tpu.memref_squeeze %dma_start3A_399 : memref<1x128xi32, #tpu.memory_space<vmem>> -> memref<128xi32, #tpu.memory_space<vmem>>
    %dma_start3A_401 = arith.constant 0 : i32
    %dma_start3A_402 = arith.constant 0 : i32
    %dma_start3A_403 = tpu.memref_slice %arg6[%dma_start3A_401, %dma_start3A_402] : memref<1000000x64xf32, #tpu.memory_space<hbm>> -> memref<1000000x64xf32, #tpu.memory_space<hbm>>
    tpu.enqueue_indirect_dma source(%dma_start3A_403 : memref<1000000x64xf32, #tpu.memory_space<hbm>>) target(%dma_start3A_397 : memref<128x64xf32, #tpu.memory_space<vmem>>) offsets(%dma_start3A_400 : memref<128xi32, #tpu.memory_space<vmem>>) semaphore(%arg15 : memref<!tpu.dma_semaphore, #tpu.memory_space<semaphore_mem>>)
    %dma_start3A_404 = arith.constant 7 : i32
    %dma_start3A_405 = arith.constant 1 : i32
    %dma_start3A_406 = arith.constant 384 : i32
    %dma_start3A_407 = arith.constant 0 : i32
    %dma_start3A_408 = tpu.memref_slice %arg13[%dma_start3A_405, %dma_start3A_406, %dma_start3A_407] : memref<2x512x64xf32, #tpu.memory_space<vmem>> -> memref<1x128x64xf32, #tpu.memory_space<vmem>>
    %dma_start3A_409 = tpu.memref_squeeze %dma_start3A_408 : memref<1x128x64xf32, #tpu.memory_space<vmem>> -> memref<128x64xf32, #tpu.memory_space<vmem>>
    %dma_start3A_410 = arith.constant 0 : i32
    %dma_start3A_411 = tpu.memref_slice %arg12[%dma_start3A_404, %dma_start3A_410] : memref<80x128xi32, #tpu.memory_space<vmem>> -> memref<1x128xi32, #tpu.memory_space<vmem>>
    %dma_start3A_412 = tpu.memref_squeeze %dma_start3A_411 : memref<1x128xi32, #tpu.memory_space<vmem>> -> memref<128xi32, #tpu.memory_space<vmem>>
    %dma_start3A_413 = arith.constant 0 : i32
    %dma_start3A_414 = arith.constant 0 : i32
    %dma_start3A_415 = tpu.memref_slice %arg6[%dma_start3A_413, %dma_start3A_414] : memref<1000000x64xf32, #tpu.memory_space<hbm>> -> memref<1000000x64xf32, #tpu.memory_space<hbm>>
    tpu.enqueue_indirect_dma source(%dma_start3A_415 : memref<1000000x64xf32, #tpu.memory_space<hbm>>) target(%dma_start3A_409 : memref<128x64xf32, #tpu.memory_space<vmem>>) offsets(%dma_start3A_412 : memref<128xi32, #tpu.memory_space<vmem>>) semaphore(%arg15 : memref<!tpu.dma_semaphore, #tpu.memory_space<semaphore_mem>>)
    %dma_wait3A_416 = arith.constant 4 : i32
    %dma_wait3A_417 = arith.constant 1 : i32
    %dma_wait3A_418 = arith.constant 0 : i32
    %dma_wait3A_419 = arith.constant 0 : i32
    %dma_wait3A_420 = tpu.memref_slice %arg13[%dma_wait3A_417, %dma_wait3A_418, %dma_wait3A_419] : memref<2x512x64xf32, #tpu.memory_space<vmem>> -> memref<1x128x64xf32, #tpu.memory_space<vmem>>
    %dma_wait3A_421 = tpu.memref_squeeze %dma_wait3A_420 : memref<1x128x64xf32, #tpu.memory_space<vmem>> -> memref<128x64xf32, #tpu.memory_space<vmem>>
    %dma_wait3A_422 = arith.constant 0 : i32
    %dma_wait3A_423 = tpu.memref_slice %arg12[%dma_wait3A_416, %dma_wait3A_422] : memref<80x128xi32, #tpu.memory_space<vmem>> -> memref<1x128xi32, #tpu.memory_space<vmem>>
    %dma_wait3A_424 = tpu.memref_squeeze %dma_wait3A_423 : memref<1x128xi32, #tpu.memory_space<vmem>> -> memref<128xi32, #tpu.memory_space<vmem>>
    %dma_wait3A_425 = arith.constant 0 : i32
    %dma_wait3A_426 = arith.constant 0 : i32
    %dma_wait3A_427 = tpu.memref_slice %arg6[%dma_wait3A_425, %dma_wait3A_426] : memref<1000000x64xf32, #tpu.memory_space<hbm>> -> memref<1000000x64xf32, #tpu.memory_space<hbm>>
    tpu.wait_indirect_dma semaphore(%arg15 : memref<!tpu.dma_semaphore, #tpu.memory_space<semaphore_mem>>) src(%dma_wait3A_427 : memref<1000000x64xf32, #tpu.memory_space<hbm>>) dst(%dma_wait3A_421 : memref<128x64xf32, #tpu.memory_space<vmem>>)
    %dma_wait3A_428 = arith.constant 5 : i32
    %dma_wait3A_429 = arith.constant 1 : i32
    %dma_wait3A_430 = arith.constant 128 : i32
    %dma_wait3A_431 = arith.constant 0 : i32
    %dma_wait3A_432 = tpu.memref_slice %arg13[%dma_wait3A_429, %dma_wait3A_430, %dma_wait3A_431] : memref<2x512x64xf32, #tpu.memory_space<vmem>> -> memref<1x128x64xf32, #tpu.memory_space<vmem>>
    %dma_wait3A_433 = tpu.memref_squeeze %dma_wait3A_432 : memref<1x128x64xf32, #tpu.memory_space<vmem>> -> memref<128x64xf32, #tpu.memory_space<vmem>>
    %dma_wait3A_434 = arith.constant 0 : i32
    %dma_wait3A_435 = tpu.memref_slice %arg12[%dma_wait3A_428, %dma_wait3A_434] : memref<80x128xi32, #tpu.memory_space<vmem>> -> memref<1x128xi32, #tpu.memory_space<vmem>>
    %dma_wait3A_436 = tpu.memref_squeeze %dma_wait3A_435 : memref<1x128xi32, #tpu.memory_space<vmem>> -> memref<128xi32, #tpu.memory_space<vmem>>
    %dma_wait3A_437 = arith.constant 0 : i32
    %dma_wait3A_438 = arith.constant 0 : i32
    %dma_wait3A_439 = tpu.memref_slice %arg6[%dma_wait3A_437, %dma_wait3A_438] : memref<1000000x64xf32, #tpu.memory_space<hbm>> -> memref<1000000x64xf32, #tpu.memory_space<hbm>>
    tpu.wait_indirect_dma semaphore(%arg15 : memref<!tpu.dma_semaphore, #tpu.memory_space<semaphore_mem>>) src(%dma_wait3A_439 : memref<1000000x64xf32, #tpu.memory_space<hbm>>) dst(%dma_wait3A_433 : memref<128x64xf32, #tpu.memory_space<vmem>>)
    %dma_wait3A_440 = arith.constant 6 : i32
    %dma_wait3A_441 = arith.constant 1 : i32
    %dma_wait3A_442 = arith.constant 256 : i32
    %dma_wait3A_443 = arith.constant 0 : i32
    %dma_wait3A_444 = tpu.memref_slice %arg13[%dma_wait3A_441, %dma_wait3A_442, %dma_wait3A_443] : memref<2x512x64xf32, #tpu.memory_space<vmem>> -> memref<1x128x64xf32, #tpu.memory_space<vmem>>
    %dma_wait3A_445 = tpu.memref_squeeze %dma_wait3A_444 : memref<1x128x64xf32, #tpu.memory_space<vmem>> -> memref<128x64xf32, #tpu.memory_space<vmem>>
    %dma_wait3A_446 = arith.constant 0 : i32
    %dma_wait3A_447 = tpu.memref_slice %arg12[%dma_wait3A_440, %dma_wait3A_446] : memref<80x128xi32, #tpu.memory_space<vmem>> -> memref<1x128xi32, #tpu.memory_space<vmem>>
    %dma_wait3A_448 = tpu.memref_squeeze %dma_wait3A_447 : memref<1x128xi32, #tpu.memory_space<vmem>> -> memref<128xi32, #tpu.memory_space<vmem>>
    %dma_wait3A_449 = arith.constant 0 : i32
    %dma_wait3A_450 = arith.constant 0 : i32
    %dma_wait3A_451 = tpu.memref_slice %arg6[%dma_wait3A_449, %dma_wait3A_450] : memref<1000000x64xf32, #tpu.memory_space<hbm>> -> memref<1000000x64xf32, #tpu.memory_space<hbm>>
    tpu.wait_indirect_dma semaphore(%arg15 : memref<!tpu.dma_semaphore, #tpu.memory_space<semaphore_mem>>) src(%dma_wait3A_451 : memref<1000000x64xf32, #tpu.memory_space<hbm>>) dst(%dma_wait3A_445 : memref<128x64xf32, #tpu.memory_space<vmem>>)
    %dma_wait3A_452 = arith.constant 7 : i32
    %dma_wait3A_453 = arith.constant 1 : i32
    %dma_wait3A_454 = arith.constant 384 : i32
    %dma_wait3A_455 = arith.constant 0 : i32
    %dma_wait3A_456 = tpu.memref_slice %arg13[%dma_wait3A_453, %dma_wait3A_454, %dma_wait3A_455] : memref<2x512x64xf32, #tpu.memory_space<vmem>> -> memref<1x128x64xf32, #tpu.memory_space<vmem>>
    %dma_wait3A_457 = tpu.memref_squeeze %dma_wait3A_456 : memref<1x128x64xf32, #tpu.memory_space<vmem>> -> memref<128x64xf32, #tpu.memory_space<vmem>>
    %dma_wait3A_458 = arith.constant 0 : i32
    %dma_wait3A_459 = tpu.memref_slice %arg12[%dma_wait3A_452, %dma_wait3A_458] : memref<80x128xi32, #tpu.memory_space<vmem>> -> memref<1x128xi32, #tpu.memory_space<vmem>>
    %dma_wait3A_460 = tpu.memref_squeeze %dma_wait3A_459 : memref<1x128xi32, #tpu.memory_space<vmem>> -> memref<128xi32, #tpu.memory_space<vmem>>
    %dma_wait3A_461 = arith.constant 0 : i32
    %dma_wait3A_462 = arith.constant 0 : i32
    %dma_wait3A_463 = tpu.memref_slice %arg6[%dma_wait3A_461, %dma_wait3A_462] : memref<1000000x64xf32, #tpu.memory_space<hbm>> -> memref<1000000x64xf32, #tpu.memory_space<hbm>>
    tpu.wait_indirect_dma semaphore(%arg15 : memref<!tpu.dma_semaphore, #tpu.memory_space<semaphore_mem>>) src(%dma_wait3A_463 : memref<1000000x64xf32, #tpu.memory_space<hbm>>) dst(%dma_wait3A_457 : memref<128x64xf32, #tpu.memory_space<vmem>>)
    %add3A_464 = arith.constant 512 : i32
    %add3A_465 = arith.addi %mul3A_4, %add3A_464 : i32
    %dma_start3A_466 = arith.constant 1 : i32
    %dma_start3A_467 = arith.constant 0 : i32
    %dma_start3A_468 = arith.constant 0 : i32
    %dma_start3A_469 = tpu.memref_slice %arg13[%dma_start3A_466, %dma_start3A_467, %dma_start3A_468] : memref<2x512x64xf32, #tpu.memory_space<vmem>> -> memref<1x512x64xf32, #tpu.memory_space<vmem>>
    %dma_start3A_470 = tpu.memref_squeeze %dma_start3A_469 : memref<1x512x64xf32, #tpu.memory_space<vmem>> -> memref<512x64xf32, #tpu.memory_space<vmem>>
    %dma_start3A_471 = arith.constant 0 : i32
    %dma_start3A_472 = tpu.memref_slice %arg9[%add3A_465, %dma_start3A_471] : memref<327680x64xf32, #tpu.memory_space<hbm>> -> memref<512x64xf32, #tpu.memory_space<hbm>>
    %dma_start3A_473 = arith.constant 0 : i32
    %dma_start3A_474 = tpu.memref_slice %arg9[%add3A_465, %dma_start3A_473] : memref<327680x64xf32, #tpu.memory_space<hbm>> -> memref<512x64xf32, #tpu.memory_space<hbm>>
    %dma_start3A_475 = arith.constant 0 : i32
    %dma_start3A_476 = arith.constant 0 : i32
    %dma_start3A_477 = tpu.memref_slice %arg13[%dma_start3A_466, %dma_start3A_475, %dma_start3A_476] : memref<2x512x64xf32, #tpu.memory_space<vmem>> -> memref<1x512x64xf32, #tpu.memory_space<vmem>>
    %dma_start3A_478 = tpu.memref_squeeze %dma_start3A_477 : memref<1x512x64xf32, #tpu.memory_space<vmem>> -> memref<512x64xf32, #tpu.memory_space<vmem>>
    tpu.enqueue_dma source(%dma_start3A_478 : memref<512x64xf32, #tpu.memory_space<vmem>>) target(%dma_start3A_474 : memref<512x64xf32, #tpu.memory_space<hbm>>) target_semaphore(%arg17 : memref<!tpu.dma_semaphore, #tpu.memory_space<semaphore_mem>>)
    %scan3A = arith.constant 0 : i32
    %scan3A_479 = arith.constant 9 : i32
    %scan3A_480 = arith.addi %scan3A, %scan3A_479 : i32
    %scan3A_481 = arith.constant 1 : i32
    scf.for %scan3A_497 = %scan3A to %scan3A_480 step %scan3A_481  : i32 {
      %mul3A_498 = arith.constant 2 : i32
      %mul3A_499 = arith.muli %scan3A_497, %mul3A_498 : i32
      %add3A_500 = arith.constant 2 : i32
      %add3A_501 = arith.addi %add3A_500, %mul3A_499 : i32
      %add3A_502 = arith.constant 0 : i32
      %add3A_503 = arith.addi %add3A_501, %add3A_502 : i32
      %sub3A = arith.constant 2 : i32
      %sub3A_504 = arith.subi %add3A_503, %sub3A : i32
      %mul3A_505 = arith.constant 512 : i32
      %mul3A_506 = arith.muli %sub3A_504, %mul3A_505 : i32
      %add3A_507 = arith.addi %mul3A_4, %mul3A_506 : i32
      %dma_wait3A_508 = arith.constant 0 : i32
      %dma_wait3A_509 = tpu.memref_slice %arg9[%add3A_507, %dma_wait3A_508] : memref<327680x64xf32, #tpu.memory_space<hbm>> -> memref<512x64xf32, #tpu.memory_space<hbm>>
      %dma_wait3A_510 = arith.constant 0 : i32
      %dma_wait3A_511 = arith.constant 0 : i32
      %dma_wait3A_512 = tpu.memref_slice %arg9[%dma_wait3A_510, %dma_wait3A_511] : memref<327680x64xf32, #tpu.memory_space<hbm>> -> memref<512x64xf32, #tpu.memory_space<hbm>>
      tpu.wait_dma2 semaphore(%arg16 : memref<!tpu.dma_semaphore, #tpu.memory_space<semaphore_mem>>) src(%dma_wait3A_512 : memref<512x64xf32, #tpu.memory_space<hbm>>) dst(%dma_wait3A_509 : memref<512x64xf32, #tpu.memory_space<hbm>>)
      %mul3A_513 = arith.constant 4 : i32
      %mul3A_514 = arith.muli %add3A_503, %mul3A_513 : i32
      %add3A_515 = arith.constant 0 : i32
      %add3A_516 = arith.addi %mul3A_514, %add3A_515 : i32
      %dma_start3A_517 = arith.constant 0 : i32
      %dma_start3A_518 = arith.constant 0 : i32
      %dma_start3A_519 = arith.constant 0 : i32
      %dma_start3A_520 = tpu.memref_slice %arg13[%dma_start3A_517, %dma_start3A_518, %dma_start3A_519] : memref<2x512x64xf32, #tpu.memory_space<vmem>> -> memref<1x128x64xf32, #tpu.memory_space<vmem>>
      %dma_start3A_521 = tpu.memref_squeeze %dma_start3A_520 : memref<1x128x64xf32, #tpu.memory_space<vmem>> -> memref<128x64xf32, #tpu.memory_space<vmem>>
      %dma_start3A_522 = arith.constant 0 : i32
      %dma_start3A_523 = tpu.memref_slice %arg12[%add3A_516, %dma_start3A_522] : memref<80x128xi32, #tpu.memory_space<vmem>> -> memref<1x128xi32, #tpu.memory_space<vmem>>
      %dma_start3A_524 = tpu.memref_squeeze %dma_start3A_523 : memref<1x128xi32, #tpu.memory_space<vmem>> -> memref<128xi32, #tpu.memory_space<vmem>>
      %dma_start3A_525 = arith.constant 0 : i32
      %dma_start3A_526 = arith.constant 0 : i32
      %dma_start3A_527 = tpu.memref_slice %arg6[%dma_start3A_525, %dma_start3A_526] : memref<1000000x64xf32, #tpu.memory_space<hbm>> -> memref<1000000x64xf32, #tpu.memory_space<hbm>>
      tpu.enqueue_indirect_dma source(%dma_start3A_527 : memref<1000000x64xf32, #tpu.memory_space<hbm>>) target(%dma_start3A_521 : memref<128x64xf32, #tpu.memory_space<vmem>>) offsets(%dma_start3A_524 : memref<128xi32, #tpu.memory_space<vmem>>) semaphore(%arg14 : memref<!tpu.dma_semaphore, #tpu.memory_space<semaphore_mem>>)
      %add3A_528 = arith.constant 1 : i32
      %add3A_529 = arith.addi %mul3A_514, %add3A_528 : i32
      %dma_start3A_530 = arith.constant 0 : i32
      %dma_start3A_531 = arith.constant 128 : i32
      %dma_start3A_532 = arith.constant 0 : i32
      %dma_start3A_533 = tpu.memref_slice %arg13[%dma_start3A_530, %dma_start3A_531, %dma_start3A_532] : memref<2x512x64xf32, #tpu.memory_space<vmem>> -> memref<1x128x64xf32, #tpu.memory_space<vmem>>
      %dma_start3A_534 = tpu.memref_squeeze %dma_start3A_533 : memref<1x128x64xf32, #tpu.memory_space<vmem>> -> memref<128x64xf32, #tpu.memory_space<vmem>>
      %dma_start3A_535 = arith.constant 0 : i32
      %dma_start3A_536 = tpu.memref_slice %arg12[%add3A_529, %dma_start3A_535] : memref<80x128xi32, #tpu.memory_space<vmem>> -> memref<1x128xi32, #tpu.memory_space<vmem>>
      %dma_start3A_537 = tpu.memref_squeeze %dma_start3A_536 : memref<1x128xi32, #tpu.memory_space<vmem>> -> memref<128xi32, #tpu.memory_space<vmem>>
      %dma_start3A_538 = arith.constant 0 : i32
      %dma_start3A_539 = arith.constant 0 : i32
      %dma_start3A_540 = tpu.memref_slice %arg6[%dma_start3A_538, %dma_start3A_539] : memref<1000000x64xf32, #tpu.memory_space<hbm>> -> memref<1000000x64xf32, #tpu.memory_space<hbm>>
      tpu.enqueue_indirect_dma source(%dma_start3A_540 : memref<1000000x64xf32, #tpu.memory_space<hbm>>) target(%dma_start3A_534 : memref<128x64xf32, #tpu.memory_space<vmem>>) offsets(%dma_start3A_537 : memref<128xi32, #tpu.memory_space<vmem>>) semaphore(%arg14 : memref<!tpu.dma_semaphore, #tpu.memory_space<semaphore_mem>>)
      %add3A_541 = arith.constant 2 : i32
      %add3A_542 = arith.addi %mul3A_514, %add3A_541 : i32
      %dma_start3A_543 = arith.constant 0 : i32
      %dma_start3A_544 = arith.constant 256 : i32
      %dma_start3A_545 = arith.constant 0 : i32
      %dma_start3A_546 = tpu.memref_slice %arg13[%dma_start3A_543, %dma_start3A_544, %dma_start3A_545] : memref<2x512x64xf32, #tpu.memory_space<vmem>> -> memref<1x128x64xf32, #tpu.memory_space<vmem>>
      %dma_start3A_547 = tpu.memref_squeeze %dma_start3A_546 : memref<1x128x64xf32, #tpu.memory_space<vmem>> -> memref<128x64xf32, #tpu.memory_space<vmem>>
      %dma_start3A_548 = arith.constant 0 : i32
      %dma_start3A_549 = tpu.memref_slice %arg12[%add3A_542, %dma_start3A_548] : memref<80x128xi32, #tpu.memory_space<vmem>> -> memref<1x128xi32, #tpu.memory_space<vmem>>
      %dma_start3A_550 = tpu.memref_squeeze %dma_start3A_549 : memref<1x128xi32, #tpu.memory_space<vmem>> -> memref<128xi32, #tpu.memory_space<vmem>>
      %dma_start3A_551 = arith.constant 0 : i32
      %dma_start3A_552 = arith.constant 0 : i32
      %dma_start3A_553 = tpu.memref_slice %arg6[%dma_start3A_551, %dma_start3A_552] : memref<1000000x64xf32, #tpu.memory_space<hbm>> -> memref<1000000x64xf32, #tpu.memory_space<hbm>>
      tpu.enqueue_indirect_dma source(%dma_start3A_553 : memref<1000000x64xf32, #tpu.memory_space<hbm>>) target(%dma_start3A_547 : memref<128x64xf32, #tpu.memory_space<vmem>>) offsets(%dma_start3A_550 : memref<128xi32, #tpu.memory_space<vmem>>) semaphore(%arg14 : memref<!tpu.dma_semaphore, #tpu.memory_space<semaphore_mem>>)
      %add3A_554 = arith.constant 3 : i32
      %add3A_555 = arith.addi %mul3A_514, %add3A_554 : i32
      %dma_start3A_556 = arith.constant 0 : i32
      %dma_start3A_557 = arith.constant 384 : i32
      %dma_start3A_558 = arith.constant 0 : i32
      %dma_start3A_559 = tpu.memref_slice %arg13[%dma_start3A_556, %dma_start3A_557, %dma_start3A_558] : memref<2x512x64xf32, #tpu.memory_space<vmem>> -> memref<1x128x64xf32, #tpu.memory_space<vmem>>
      %dma_start3A_560 = tpu.memref_squeeze %dma_start3A_559 : memref<1x128x64xf32, #tpu.memory_space<vmem>> -> memref<128x64xf32, #tpu.memory_space<vmem>>
      %dma_start3A_561 = arith.constant 0 : i32
      %dma_start3A_562 = tpu.memref_slice %arg12[%add3A_555, %dma_start3A_561] : memref<80x128xi32, #tpu.memory_space<vmem>> -> memref<1x128xi32, #tpu.memory_space<vmem>>
      %dma_start3A_563 = tpu.memref_squeeze %dma_start3A_562 : memref<1x128xi32, #tpu.memory_space<vmem>> -> memref<128xi32, #tpu.memory_space<vmem>>
      %dma_start3A_564 = arith.constant 0 : i32
      %dma_start3A_565 = arith.constant 0 : i32
      %dma_start3A_566 = tpu.memref_slice %arg6[%dma_start3A_564, %dma_start3A_565] : memref<1000000x64xf32, #tpu.memory_space<hbm>> -> memref<1000000x64xf32, #tpu.memory_space<hbm>>
      tpu.enqueue_indirect_dma source(%dma_start3A_566 : memref<1000000x64xf32, #tpu.memory_space<hbm>>) target(%dma_start3A_560 : memref<128x64xf32, #tpu.memory_space<vmem>>) offsets(%dma_start3A_563 : memref<128xi32, #tpu.memory_space<vmem>>) semaphore(%arg14 : memref<!tpu.dma_semaphore, #tpu.memory_space<semaphore_mem>>)
      %dma_wait3A_567 = arith.constant 0 : i32
      %dma_wait3A_568 = arith.constant 0 : i32
      %dma_wait3A_569 = arith.constant 0 : i32
      %dma_wait3A_570 = tpu.memref_slice %arg13[%dma_wait3A_567, %dma_wait3A_568, %dma_wait3A_569] : memref<2x512x64xf32, #tpu.memory_space<vmem>> -> memref<1x128x64xf32, #tpu.memory_space<vmem>>
      %dma_wait3A_571 = tpu.memref_squeeze %dma_wait3A_570 : memref<1x128x64xf32, #tpu.memory_space<vmem>> -> memref<128x64xf32, #tpu.memory_space<vmem>>
      %dma_wait3A_572 = arith.constant 0 : i32
      %dma_wait3A_573 = tpu.memref_slice %arg12[%add3A_516, %dma_wait3A_572] : memref<80x128xi32, #tpu.memory_space<vmem>> -> memref<1x128xi32, #tpu.memory_space<vmem>>
      %dma_wait3A_574 = tpu.memref_squeeze %dma_wait3A_573 : memref<1x128xi32, #tpu.memory_space<vmem>> -> memref<128xi32, #tpu.memory_space<vmem>>
      %dma_wait3A_575 = arith.constant 0 : i32
      %dma_wait3A_576 = arith.constant 0 : i32
      %dma_wait3A_577 = tpu.memref_slice %arg6[%dma_wait3A_575, %dma_wait3A_576] : memref<1000000x64xf32, #tpu.memory_space<hbm>> -> memref<1000000x64xf32, #tpu.memory_space<hbm>>
      tpu.wait_indirect_dma semaphore(%arg14 : memref<!tpu.dma_semaphore, #tpu.memory_space<semaphore_mem>>) src(%dma_wait3A_577 : memref<1000000x64xf32, #tpu.memory_space<hbm>>) dst(%dma_wait3A_571 : memref<128x64xf32, #tpu.memory_space<vmem>>)
      %dma_wait3A_578 = arith.constant 0 : i32
      %dma_wait3A_579 = arith.constant 128 : i32
      %dma_wait3A_580 = arith.constant 0 : i32
      %dma_wait3A_581 = tpu.memref_slice %arg13[%dma_wait3A_578, %dma_wait3A_579, %dma_wait3A_580] : memref<2x512x64xf32, #tpu.memory_space<vmem>> -> memref<1x128x64xf32, #tpu.memory_space<vmem>>
      %dma_wait3A_582 = tpu.memref_squeeze %dma_wait3A_581 : memref<1x128x64xf32, #tpu.memory_space<vmem>> -> memref<128x64xf32, #tpu.memory_space<vmem>>
      %dma_wait3A_583 = arith.constant 0 : i32
      %dma_wait3A_584 = tpu.memref_slice %arg12[%add3A_529, %dma_wait3A_583] : memref<80x128xi32, #tpu.memory_space<vmem>> -> memref<1x128xi32, #tpu.memory_space<vmem>>
      %dma_wait3A_585 = tpu.memref_squeeze %dma_wait3A_584 : memref<1x128xi32, #tpu.memory_space<vmem>> -> memref<128xi32, #tpu.memory_space<vmem>>
      %dma_wait3A_586 = arith.constant 0 : i32
      %dma_wait3A_587 = arith.constant 0 : i32
      %dma_wait3A_588 = tpu.memref_slice %arg6[%dma_wait3A_586, %dma_wait3A_587] : memref<1000000x64xf32, #tpu.memory_space<hbm>> -> memref<1000000x64xf32, #tpu.memory_space<hbm>>
      tpu.wait_indirect_dma semaphore(%arg14 : memref<!tpu.dma_semaphore, #tpu.memory_space<semaphore_mem>>) src(%dma_wait3A_588 : memref<1000000x64xf32, #tpu.memory_space<hbm>>) dst(%dma_wait3A_582 : memref<128x64xf32, #tpu.memory_space<vmem>>)
      %dma_wait3A_589 = arith.constant 0 : i32
      %dma_wait3A_590 = arith.constant 256 : i32
      %dma_wait3A_591 = arith.constant 0 : i32
      %dma_wait3A_592 = tpu.memref_slice %arg13[%dma_wait3A_589, %dma_wait3A_590, %dma_wait3A_591] : memref<2x512x64xf32, #tpu.memory_space<vmem>> -> memref<1x128x64xf32, #tpu.memory_space<vmem>>
      %dma_wait3A_593 = tpu.memref_squeeze %dma_wait3A_592 : memref<1x128x64xf32, #tpu.memory_space<vmem>> -> memref<128x64xf32, #tpu.memory_space<vmem>>
      %dma_wait3A_594 = arith.constant 0 : i32
      %dma_wait3A_595 = tpu.memref_slice %arg12[%add3A_542, %dma_wait3A_594] : memref<80x128xi32, #tpu.memory_space<vmem>> -> memref<1x128xi32, #tpu.memory_space<vmem>>
      %dma_wait3A_596 = tpu.memref_squeeze %dma_wait3A_595 : memref<1x128xi32, #tpu.memory_space<vmem>> -> memref<128xi32, #tpu.memory_space<vmem>>
      %dma_wait3A_597 = arith.constant 0 : i32
      %dma_wait3A_598 = arith.constant 0 : i32
      %dma_wait3A_599 = tpu.memref_slice %arg6[%dma_wait3A_597, %dma_wait3A_598] : memref<1000000x64xf32, #tpu.memory_space<hbm>> -> memref<1000000x64xf32, #tpu.memory_space<hbm>>
      tpu.wait_indirect_dma semaphore(%arg14 : memref<!tpu.dma_semaphore, #tpu.memory_space<semaphore_mem>>) src(%dma_wait3A_599 : memref<1000000x64xf32, #tpu.memory_space<hbm>>) dst(%dma_wait3A_593 : memref<128x64xf32, #tpu.memory_space<vmem>>)
      %dma_wait3A_600 = arith.constant 0 : i32
      %dma_wait3A_601 = arith.constant 384 : i32
      %dma_wait3A_602 = arith.constant 0 : i32
      %dma_wait3A_603 = tpu.memref_slice %arg13[%dma_wait3A_600, %dma_wait3A_601, %dma_wait3A_602] : memref<2x512x64xf32, #tpu.memory_space<vmem>> -> memref<1x128x64xf32, #tpu.memory_space<vmem>>
      %dma_wait3A_604 = tpu.memref_squeeze %dma_wait3A_603 : memref<1x128x64xf32, #tpu.memory_space<vmem>> -> memref<128x64xf32, #tpu.memory_space<vmem>>
      %dma_wait3A_605 = arith.constant 0 : i32
      %dma_wait3A_606 = tpu.memref_slice %arg12[%add3A_555, %dma_wait3A_605] : memref<80x128xi32, #tpu.memory_space<vmem>> -> memref<1x128xi32, #tpu.memory_space<vmem>>
      %dma_wait3A_607 = tpu.memref_squeeze %dma_wait3A_606 : memref<1x128xi32, #tpu.memory_space<vmem>> -> memref<128xi32, #tpu.memory_space<vmem>>
      %dma_wait3A_608 = arith.constant 0 : i32
      %dma_wait3A_609 = arith.constant 0 : i32
      %dma_wait3A_610 = tpu.memref_slice %arg6[%dma_wait3A_608, %dma_wait3A_609] : memref<1000000x64xf32, #tpu.memory_space<hbm>> -> memref<1000000x64xf32, #tpu.memory_space<hbm>>
      tpu.wait_indirect_dma semaphore(%arg14 : memref<!tpu.dma_semaphore, #tpu.memory_space<semaphore_mem>>) src(%dma_wait3A_610 : memref<1000000x64xf32, #tpu.memory_space<hbm>>) dst(%dma_wait3A_604 : memref<128x64xf32, #tpu.memory_space<vmem>>)
      %mul3A_611 = arith.constant 512 : i32
      %mul3A_612 = arith.muli %add3A_503, %mul3A_611 : i32
      %add3A_613 = arith.addi %mul3A_4, %mul3A_612 : i32
      %dma_start3A_614 = arith.constant 0 : i32
      %dma_start3A_615 = arith.constant 0 : i32
      %dma_start3A_616 = arith.constant 0 : i32
      %dma_start3A_617 = tpu.memref_slice %arg13[%dma_start3A_614, %dma_start3A_615, %dma_start3A_616] : memref<2x512x64xf32, #tpu.memory_space<vmem>> -> memref<1x512x64xf32, #tpu.memory_space<vmem>>
      %dma_start3A_618 = tpu.memref_squeeze %dma_start3A_617 : memref<1x512x64xf32, #tpu.memory_space<vmem>> -> memref<512x64xf32, #tpu.memory_space<vmem>>
      %dma_start3A_619 = arith.constant 0 : i32
      %dma_start3A_620 = tpu.memref_slice %arg9[%add3A_613, %dma_start3A_619] : memref<327680x64xf32, #tpu.memory_space<hbm>> -> memref<512x64xf32, #tpu.memory_space<hbm>>
      %dma_start3A_621 = arith.constant 0 : i32
      %dma_start3A_622 = tpu.memref_slice %arg9[%add3A_613, %dma_start3A_621] : memref<327680x64xf32, #tpu.memory_space<hbm>> -> memref<512x64xf32, #tpu.memory_space<hbm>>
      %dma_start3A_623 = arith.constant 0 : i32
      %dma_start3A_624 = arith.constant 0 : i32
      %dma_start3A_625 = tpu.memref_slice %arg13[%dma_start3A_614, %dma_start3A_623, %dma_start3A_624] : memref<2x512x64xf32, #tpu.memory_space<vmem>> -> memref<1x512x64xf32, #tpu.memory_space<vmem>>
      %dma_start3A_626 = tpu.memref_squeeze %dma_start3A_625 : memref<1x512x64xf32, #tpu.memory_space<vmem>> -> memref<512x64xf32, #tpu.memory_space<vmem>>
      tpu.enqueue_dma source(%dma_start3A_626 : memref<512x64xf32, #tpu.memory_space<vmem>>) target(%dma_start3A_622 : memref<512x64xf32, #tpu.memory_space<hbm>>) target_semaphore(%arg16 : memref<!tpu.dma_semaphore, #tpu.memory_space<semaphore_mem>>)
      %add3A_627 = arith.constant 1 : i32
      %add3A_628 = arith.addi %add3A_501, %add3A_627 : i32
      %sub3A_629 = arith.constant 2 : i32
      %sub3A_630 = arith.subi %add3A_628, %sub3A_629 : i32
      %mul3A_631 = arith.constant 512 : i32
      %mul3A_632 = arith.muli %sub3A_630, %mul3A_631 : i32
      %add3A_633 = arith.addi %mul3A_4, %mul3A_632 : i32
      %dma_wait3A_634 = arith.constant 0 : i32
      %dma_wait3A_635 = tpu.memref_slice %arg9[%add3A_633, %dma_wait3A_634] : memref<327680x64xf32, #tpu.memory_space<hbm>> -> memref<512x64xf32, #tpu.memory_space<hbm>>
      %dma_wait3A_636 = arith.constant 0 : i32
      %dma_wait3A_637 = arith.constant 0 : i32
      %dma_wait3A_638 = tpu.memref_slice %arg9[%dma_wait3A_636, %dma_wait3A_637] : memref<327680x64xf32, #tpu.memory_space<hbm>> -> memref<512x64xf32, #tpu.memory_space<hbm>>
      tpu.wait_dma2 semaphore(%arg17 : memref<!tpu.dma_semaphore, #tpu.memory_space<semaphore_mem>>) src(%dma_wait3A_638 : memref<512x64xf32, #tpu.memory_space<hbm>>) dst(%dma_wait3A_635 : memref<512x64xf32, #tpu.memory_space<hbm>>)
      %mul3A_639 = arith.constant 4 : i32
      %mul3A_640 = arith.muli %add3A_628, %mul3A_639 : i32
      %add3A_641 = arith.constant 0 : i32
      %add3A_642 = arith.addi %mul3A_640, %add3A_641 : i32
      %dma_start3A_643 = arith.constant 1 : i32
      %dma_start3A_644 = arith.constant 0 : i32
      %dma_start3A_645 = arith.constant 0 : i32
      %dma_start3A_646 = tpu.memref_slice %arg13[%dma_start3A_643, %dma_start3A_644, %dma_start3A_645] : memref<2x512x64xf32, #tpu.memory_space<vmem>> -> memref<1x128x64xf32, #tpu.memory_space<vmem>>
      %dma_start3A_647 = tpu.memref_squeeze %dma_start3A_646 : memref<1x128x64xf32, #tpu.memory_space<vmem>> -> memref<128x64xf32, #tpu.memory_space<vmem>>
      %dma_start3A_648 = arith.constant 0 : i32
      %dma_start3A_649 = tpu.memref_slice %arg12[%add3A_642, %dma_start3A_648] : memref<80x128xi32, #tpu.memory_space<vmem>> -> memref<1x128xi32, #tpu.memory_space<vmem>>
      %dma_start3A_650 = tpu.memref_squeeze %dma_start3A_649 : memref<1x128xi32, #tpu.memory_space<vmem>> -> memref<128xi32, #tpu.memory_space<vmem>>
      %dma_start3A_651 = arith.constant 0 : i32
      %dma_start3A_652 = arith.constant 0 : i32
      %dma_start3A_653 = tpu.memref_slice %arg6[%dma_start3A_651, %dma_start3A_652] : memref<1000000x64xf32, #tpu.memory_space<hbm>> -> memref<1000000x64xf32, #tpu.memory_space<hbm>>
      tpu.enqueue_indirect_dma source(%dma_start3A_653 : memref<1000000x64xf32, #tpu.memory_space<hbm>>) target(%dma_start3A_647 : memref<128x64xf32, #tpu.memory_space<vmem>>) offsets(%dma_start3A_650 : memref<128xi32, #tpu.memory_space<vmem>>) semaphore(%arg15 : memref<!tpu.dma_semaphore, #tpu.memory_space<semaphore_mem>>)
      %add3A_654 = arith.constant 1 : i32
      %add3A_655 = arith.addi %mul3A_640, %add3A_654 : i32
      %dma_start3A_656 = arith.constant 1 : i32
      %dma_start3A_657 = arith.constant 128 : i32
      %dma_start3A_658 = arith.constant 0 : i32
      %dma_start3A_659 = tpu.memref_slice %arg13[%dma_start3A_656, %dma_start3A_657, %dma_start3A_658] : memref<2x512x64xf32, #tpu.memory_space<vmem>> -> memref<1x128x64xf32, #tpu.memory_space<vmem>>
      %dma_start3A_660 = tpu.memref_squeeze %dma_start3A_659 : memref<1x128x64xf32, #tpu.memory_space<vmem>> -> memref<128x64xf32, #tpu.memory_space<vmem>>
      %dma_start3A_661 = arith.constant 0 : i32
      %dma_start3A_662 = tpu.memref_slice %arg12[%add3A_655, %dma_start3A_661] : memref<80x128xi32, #tpu.memory_space<vmem>> -> memref<1x128xi32, #tpu.memory_space<vmem>>
      %dma_start3A_663 = tpu.memref_squeeze %dma_start3A_662 : memref<1x128xi32, #tpu.memory_space<vmem>> -> memref<128xi32, #tpu.memory_space<vmem>>
      %dma_start3A_664 = arith.constant 0 : i32
      %dma_start3A_665 = arith.constant 0 : i32
      %dma_start3A_666 = tpu.memref_slice %arg6[%dma_start3A_664, %dma_start3A_665] : memref<1000000x64xf32, #tpu.memory_space<hbm>> -> memref<1000000x64xf32, #tpu.memory_space<hbm>>
      tpu.enqueue_indirect_dma source(%dma_start3A_666 : memref<1000000x64xf32, #tpu.memory_space<hbm>>) target(%dma_start3A_660 : memref<128x64xf32, #tpu.memory_space<vmem>>) offsets(%dma_start3A_663 : memref<128xi32, #tpu.memory_space<vmem>>) semaphore(%arg15 : memref<!tpu.dma_semaphore, #tpu.memory_space<semaphore_mem>>)
      %add3A_667 = arith.constant 2 : i32
      %add3A_668 = arith.addi %mul3A_640, %add3A_667 : i32
      %dma_start3A_669 = arith.constant 1 : i32
      %dma_start3A_670 = arith.constant 256 : i32
      %dma_start3A_671 = arith.constant 0 : i32
      %dma_start3A_672 = tpu.memref_slice %arg13[%dma_start3A_669, %dma_start3A_670, %dma_start3A_671] : memref<2x512x64xf32, #tpu.memory_space<vmem>> -> memref<1x128x64xf32, #tpu.memory_space<vmem>>
      %dma_start3A_673 = tpu.memref_squeeze %dma_start3A_672 : memref<1x128x64xf32, #tpu.memory_space<vmem>> -> memref<128x64xf32, #tpu.memory_space<vmem>>
      %dma_start3A_674 = arith.constant 0 : i32
      %dma_start3A_675 = tpu.memref_slice %arg12[%add3A_668, %dma_start3A_674] : memref<80x128xi32, #tpu.memory_space<vmem>> -> memref<1x128xi32, #tpu.memory_space<vmem>>
      %dma_start3A_676 = tpu.memref_squeeze %dma_start3A_675 : memref<1x128xi32, #tpu.memory_space<vmem>> -> memref<128xi32, #tpu.memory_space<vmem>>
      %dma_start3A_677 = arith.constant 0 : i32
      %dma_start3A_678 = arith.constant 0 : i32
      %dma_start3A_679 = tpu.memref_slice %arg6[%dma_start3A_677, %dma_start3A_678] : memref<1000000x64xf32, #tpu.memory_space<hbm>> -> memref<1000000x64xf32, #tpu.memory_space<hbm>>
      tpu.enqueue_indirect_dma source(%dma_start3A_679 : memref<1000000x64xf32, #tpu.memory_space<hbm>>) target(%dma_start3A_673 : memref<128x64xf32, #tpu.memory_space<vmem>>) offsets(%dma_start3A_676 : memref<128xi32, #tpu.memory_space<vmem>>) semaphore(%arg15 : memref<!tpu.dma_semaphore, #tpu.memory_space<semaphore_mem>>)
      %add3A_680 = arith.constant 3 : i32
      %add3A_681 = arith.addi %mul3A_640, %add3A_680 : i32
      %dma_start3A_682 = arith.constant 1 : i32
      %dma_start3A_683 = arith.constant 384 : i32
      %dma_start3A_684 = arith.constant 0 : i32
      %dma_start3A_685 = tpu.memref_slice %arg13[%dma_start3A_682, %dma_start3A_683, %dma_start3A_684] : memref<2x512x64xf32, #tpu.memory_space<vmem>> -> memref<1x128x64xf32, #tpu.memory_space<vmem>>
      %dma_start3A_686 = tpu.memref_squeeze %dma_start3A_685 : memref<1x128x64xf32, #tpu.memory_space<vmem>> -> memref<128x64xf32, #tpu.memory_space<vmem>>
      %dma_start3A_687 = arith.constant 0 : i32
      %dma_start3A_688 = tpu.memref_slice %arg12[%add3A_681, %dma_start3A_687] : memref<80x128xi32, #tpu.memory_space<vmem>> -> memref<1x128xi32, #tpu.memory_space<vmem>>
      %dma_start3A_689 = tpu.memref_squeeze %dma_start3A_688 : memref<1x128xi32, #tpu.memory_space<vmem>> -> memref<128xi32, #tpu.memory_space<vmem>>
      %dma_start3A_690 = arith.constant 0 : i32
      %dma_start3A_691 = arith.constant 0 : i32
      %dma_start3A_692 = tpu.memref_slice %arg6[%dma_start3A_690, %dma_start3A_691] : memref<1000000x64xf32, #tpu.memory_space<hbm>> -> memref<1000000x64xf32, #tpu.memory_space<hbm>>
      tpu.enqueue_indirect_dma source(%dma_start3A_692 : memref<1000000x64xf32, #tpu.memory_space<hbm>>) target(%dma_start3A_686 : memref<128x64xf32, #tpu.memory_space<vmem>>) offsets(%dma_start3A_689 : memref<128xi32, #tpu.memory_space<vmem>>) semaphore(%arg15 : memref<!tpu.dma_semaphore, #tpu.memory_space<semaphore_mem>>)
      %dma_wait3A_693 = arith.constant 1 : i32
      %dma_wait3A_694 = arith.constant 0 : i32
      %dma_wait3A_695 = arith.constant 0 : i32
      %dma_wait3A_696 = tpu.memref_slice %arg13[%dma_wait3A_693, %dma_wait3A_694, %dma_wait3A_695] : memref<2x512x64xf32, #tpu.memory_space<vmem>> -> memref<1x128x64xf32, #tpu.memory_space<vmem>>
      %dma_wait3A_697 = tpu.memref_squeeze %dma_wait3A_696 : memref<1x128x64xf32, #tpu.memory_space<vmem>> -> memref<128x64xf32, #tpu.memory_space<vmem>>
      %dma_wait3A_698 = arith.constant 0 : i32
      %dma_wait3A_699 = tpu.memref_slice %arg12[%add3A_642, %dma_wait3A_698] : memref<80x128xi32, #tpu.memory_space<vmem>> -> memref<1x128xi32, #tpu.memory_space<vmem>>
      %dma_wait3A_700 = tpu.memref_squeeze %dma_wait3A_699 : memref<1x128xi32, #tpu.memory_space<vmem>> -> memref<128xi32, #tpu.memory_space<vmem>>
      %dma_wait3A_701 = arith.constant 0 : i32
      %dma_wait3A_702 = arith.constant 0 : i32
      %dma_wait3A_703 = tpu.memref_slice %arg6[%dma_wait3A_701, %dma_wait3A_702] : memref<1000000x64xf32, #tpu.memory_space<hbm>> -> memref<1000000x64xf32, #tpu.memory_space<hbm>>
      tpu.wait_indirect_dma semaphore(%arg15 : memref<!tpu.dma_semaphore, #tpu.memory_space<semaphore_mem>>) src(%dma_wait3A_703 : memref<1000000x64xf32, #tpu.memory_space<hbm>>) dst(%dma_wait3A_697 : memref<128x64xf32, #tpu.memory_space<vmem>>)
      %dma_wait3A_704 = arith.constant 1 : i32
      %dma_wait3A_705 = arith.constant 128 : i32
      %dma_wait3A_706 = arith.constant 0 : i32
      %dma_wait3A_707 = tpu.memref_slice %arg13[%dma_wait3A_704, %dma_wait3A_705, %dma_wait3A_706] : memref<2x512x64xf32, #tpu.memory_space<vmem>> -> memref<1x128x64xf32, #tpu.memory_space<vmem>>
      %dma_wait3A_708 = tpu.memref_squeeze %dma_wait3A_707 : memref<1x128x64xf32, #tpu.memory_space<vmem>> -> memref<128x64xf32, #tpu.memory_space<vmem>>
      %dma_wait3A_709 = arith.constant 0 : i32
      %dma_wait3A_710 = tpu.memref_slice %arg12[%add3A_655, %dma_wait3A_709] : memref<80x128xi32, #tpu.memory_space<vmem>> -> memref<1x128xi32, #tpu.memory_space<vmem>>
      %dma_wait3A_711 = tpu.memref_squeeze %dma_wait3A_710 : memref<1x128xi32, #tpu.memory_space<vmem>> -> memref<128xi32, #tpu.memory_space<vmem>>
      %dma_wait3A_712 = arith.constant 0 : i32
      %dma_wait3A_713 = arith.constant 0 : i32
      %dma_wait3A_714 = tpu.memref_slice %arg6[%dma_wait3A_712, %dma_wait3A_713] : memref<1000000x64xf32, #tpu.memory_space<hbm>> -> memref<1000000x64xf32, #tpu.memory_space<hbm>>
      tpu.wait_indirect_dma semaphore(%arg15 : memref<!tpu.dma_semaphore, #tpu.memory_space<semaphore_mem>>) src(%dma_wait3A_714 : memref<1000000x64xf32, #tpu.memory_space<hbm>>) dst(%dma_wait3A_708 : memref<128x64xf32, #tpu.memory_space<vmem>>)
      %dma_wait3A_715 = arith.constant 1 : i32
      %dma_wait3A_716 = arith.constant 256 : i32
      %dma_wait3A_717 = arith.constant 0 : i32
      %dma_wait3A_718 = tpu.memref_slice %arg13[%dma_wait3A_715, %dma_wait3A_716, %dma_wait3A_717] : memref<2x512x64xf32, #tpu.memory_space<vmem>> -> memref<1x128x64xf32, #tpu.memory_space<vmem>>
      %dma_wait3A_719 = tpu.memref_squeeze %dma_wait3A_718 : memref<1x128x64xf32, #tpu.memory_space<vmem>> -> memref<128x64xf32, #tpu.memory_space<vmem>>
      %dma_wait3A_720 = arith.constant 0 : i32
      %dma_wait3A_721 = tpu.memref_slice %arg12[%add3A_668, %dma_wait3A_720] : memref<80x128xi32, #tpu.memory_space<vmem>> -> memref<1x128xi32, #tpu.memory_space<vmem>>
      %dma_wait3A_722 = tpu.memref_squeeze %dma_wait3A_721 : memref<1x128xi32, #tpu.memory_space<vmem>> -> memref<128xi32, #tpu.memory_space<vmem>>
      %dma_wait3A_723 = arith.constant 0 : i32
      %dma_wait3A_724 = arith.constant 0 : i32
      %dma_wait3A_725 = tpu.memref_slice %arg6[%dma_wait3A_723, %dma_wait3A_724] : memref<1000000x64xf32, #tpu.memory_space<hbm>> -> memref<1000000x64xf32, #tpu.memory_space<hbm>>
      tpu.wait_indirect_dma semaphore(%arg15 : memref<!tpu.dma_semaphore, #tpu.memory_space<semaphore_mem>>) src(%dma_wait3A_725 : memref<1000000x64xf32, #tpu.memory_space<hbm>>) dst(%dma_wait3A_719 : memref<128x64xf32, #tpu.memory_space<vmem>>)
      %dma_wait3A_726 = arith.constant 1 : i32
      %dma_wait3A_727 = arith.constant 384 : i32
      %dma_wait3A_728 = arith.constant 0 : i32
      %dma_wait3A_729 = tpu.memref_slice %arg13[%dma_wait3A_726, %dma_wait3A_727, %dma_wait3A_728] : memref<2x512x64xf32, #tpu.memory_space<vmem>> -> memref<1x128x64xf32, #tpu.memory_space<vmem>>
      %dma_wait3A_730 = tpu.memref_squeeze %dma_wait3A_729 : memref<1x128x64xf32, #tpu.memory_space<vmem>> -> memref<128x64xf32, #tpu.memory_space<vmem>>
      %dma_wait3A_731 = arith.constant 0 : i32
      %dma_wait3A_732 = tpu.memref_slice %arg12[%add3A_681, %dma_wait3A_731] : memref<80x128xi32, #tpu.memory_space<vmem>> -> memref<1x128xi32, #tpu.memory_space<vmem>>
      %dma_wait3A_733 = tpu.memref_squeeze %dma_wait3A_732 : memref<1x128xi32, #tpu.memory_space<vmem>> -> memref<128xi32, #tpu.memory_space<vmem>>
      %dma_wait3A_734 = arith.constant 0 : i32
      %dma_wait3A_735 = arith.constant 0 : i32
      %dma_wait3A_736 = tpu.memref_slice %arg6[%dma_wait3A_734, %dma_wait3A_735] : memref<1000000x64xf32, #tpu.memory_space<hbm>> -> memref<1000000x64xf32, #tpu.memory_space<hbm>>
      tpu.wait_indirect_dma semaphore(%arg15 : memref<!tpu.dma_semaphore, #tpu.memory_space<semaphore_mem>>) src(%dma_wait3A_736 : memref<1000000x64xf32, #tpu.memory_space<hbm>>) dst(%dma_wait3A_730 : memref<128x64xf32, #tpu.memory_space<vmem>>)
      %mul3A_737 = arith.constant 512 : i32
      %mul3A_738 = arith.muli %add3A_628, %mul3A_737 : i32
      %add3A_739 = arith.addi %mul3A_4, %mul3A_738 : i32
      %dma_start3A_740 = arith.constant 1 : i32
      %dma_start3A_741 = arith.constant 0 : i32
      %dma_start3A_742 = arith.constant 0 : i32
      %dma_start3A_743 = tpu.memref_slice %arg13[%dma_start3A_740, %dma_start3A_741, %dma_start3A_742] : memref<2x512x64xf32, #tpu.memory_space<vmem>> -> memref<1x512x64xf32, #tpu.memory_space<vmem>>
      %dma_start3A_744 = tpu.memref_squeeze %dma_start3A_743 : memref<1x512x64xf32, #tpu.memory_space<vmem>> -> memref<512x64xf32, #tpu.memory_space<vmem>>
      %dma_start3A_745 = arith.constant 0 : i32
      %dma_start3A_746 = tpu.memref_slice %arg9[%add3A_739, %dma_start3A_745] : memref<327680x64xf32, #tpu.memory_space<hbm>> -> memref<512x64xf32, #tpu.memory_space<hbm>>
      %dma_start3A_747 = arith.constant 0 : i32
      %dma_start3A_748 = tpu.memref_slice %arg9[%add3A_739, %dma_start3A_747] : memref<327680x64xf32, #tpu.memory_space<hbm>> -> memref<512x64xf32, #tpu.memory_space<hbm>>
      %dma_start3A_749 = arith.constant 0 : i32
      %dma_start3A_750 = arith.constant 0 : i32
      %dma_start3A_751 = tpu.memref_slice %arg13[%dma_start3A_740, %dma_start3A_749, %dma_start3A_750] : memref<2x512x64xf32, #tpu.memory_space<vmem>> -> memref<1x512x64xf32, #tpu.memory_space<vmem>>
      %dma_start3A_752 = tpu.memref_squeeze %dma_start3A_751 : memref<1x512x64xf32, #tpu.memory_space<vmem>> -> memref<512x64xf32, #tpu.memory_space<vmem>>
      tpu.enqueue_dma source(%dma_start3A_752 : memref<512x64xf32, #tpu.memory_space<vmem>>) target(%dma_start3A_748 : memref<512x64xf32, #tpu.memory_space<hbm>>) target_semaphore(%arg17 : memref<!tpu.dma_semaphore, #tpu.memory_space<semaphore_mem>>)
    }
    %scan3A_482 = arith.constant 9 : i32
    %add3A_483 = arith.constant 9216 : i32
    %add3A_484 = arith.addi %mul3A_4, %add3A_483 : i32
    %dma_wait3A_485 = arith.constant 0 : i32
    %dma_wait3A_486 = tpu.memref_slice %arg9[%add3A_484, %dma_wait3A_485] : memref<327680x64xf32, #tpu.memory_space<hbm>> -> memref<512x64xf32, #tpu.memory_space<hbm>>
    %dma_wait3A_487 = arith.constant 0 : i32
    %dma_wait3A_488 = arith.constant 0 : i32
    %dma_wait3A_489 = tpu.memref_slice %arg9[%dma_wait3A_487, %dma_wait3A_488] : memref<327680x64xf32, #tpu.memory_space<hbm>> -> memref<512x64xf32, #tpu.memory_space<hbm>>
    tpu.wait_dma2 semaphore(%arg16 : memref<!tpu.dma_semaphore, #tpu.memory_space<semaphore_mem>>) src(%dma_wait3A_489 : memref<512x64xf32, #tpu.memory_space<hbm>>) dst(%dma_wait3A_486 : memref<512x64xf32, #tpu.memory_space<hbm>>)
    %add3A_490 = arith.constant 9728 : i32
    %add3A_491 = arith.addi %mul3A_4, %add3A_490 : i32
    %dma_wait3A_492 = arith.constant 0 : i32
    %dma_wait3A_493 = tpu.memref_slice %arg9[%add3A_491, %dma_wait3A_492] : memref<327680x64xf32, #tpu.memory_space<hbm>> -> memref<512x64xf32, #tpu.memory_space<hbm>>
    %dma_wait3A_494 = arith.constant 0 : i32
    %dma_wait3A_495 = arith.constant 0 : i32
    %dma_wait3A_496 = tpu.memref_slice %arg9[%dma_wait3A_494, %dma_wait3A_495] : memref<327680x64xf32, #tpu.memory_space<hbm>> -> memref<512x64xf32, #tpu.memory_space<hbm>>
    tpu.wait_dma2 semaphore(%arg17 : memref<!tpu.dma_semaphore, #tpu.memory_space<semaphore_mem>>) src(%dma_wait3A_496 : memref<512x64xf32, #tpu.memory_space<hbm>>) dst(%dma_wait3A_493 : memref<512x64xf32, #tpu.memory_space<hbm>>)
    return
  }
}

</mosaic_0001>

<sc_bundles>
// kernel: kernel.3.cloned.1.call-start
scs
__scs_entry_jumppad:
0x0: {  	(pc) =	sbr.rel $0x88, $3  }
0x1: {  	(tag) =	ssettag $0x0;
	lr =	simm.s32 $0x1  }
0x2: {  	[smem:$0x3F9C] =	sst lr;
	_ =	strace $0xD0000000  }
0x3: {  	_ = 	snop  }
0x4: {  	_ = 	snop  }
0x5: {  	_ = 	snop  }
0x6: {  	_ = 	snop  }
0x7: {  	_ = 	snop  }
__scs_overlays_trampoline_lowered:
0x8: {  	[smem:$0x3FAB] =	sst s0  }
0x9: {  	[smem:$0x3FAC] =	sst s1  }
0xa: {  	[smem:$0x3FAD] =	sst s2  }
0xb: {  	[smem:$0x3FAE] =	sst s3  }
0xc: {  	[smem:$0x3FAF] =	sst s4  }
0xd: {  	[smem:$0x3FB0] =	sst s5  }
0xe: {  	[smem:$0x3FB1] =	sst s6  }
0xf: {  	[smem:$0x3FB2] =	sst s7  }
0x10: {  	[smem:$0x3FB3] =	sst s8  }
0x11: {  	[smem:$0x3FB4] =	sst s9;
	s0 =	simm.s32 @!p0 $0x0  }
0x12: {  	s1 =	sld [smem:$0x3F9A];
	s0 =	simm.s32 @p0 $0x1  }
0x13: {  	[smem:$0x3FB5] =	sst s0;
	s0 =	simm.s32 @!p1 $0x0  }
0x14: {  	s2 =	sld [smem:$0x3F99];
	s0 =	simm.s32 @p1 $0x1  }
0x15: {  	[smem:$0x3FB6] =	sst s0;
	s0 =	simm.s32 @!p2 $0x0  }
0x16: {  	s3 =	sld [smem:$0x3FDB];
	s0 =	simm.s32 @p2 $0x1  }
0x17: {  	s4 =	simm.s32 $0x1BF5;
	[smem:$0x3FB8] =	sst s0  }
0x18: {  	s0 =	sld [smem:$0x3F9B];
	_ =	swait.ge [sflag:s4], $0x0  }
0x19: {  	s7 =	sld [smem:$0x3F9C]  }
0x1a: {  	s8 =	sadd.s32 $0xFFFFE003, lr  }
0x1b: {  	s9 =	sadd.s32 $0xFFFFFEF7, lr;
	s5 =	simm.s32 $0xFFFFFFFF;
	p2 =	slt.u32 s8, $0xFFFFF086  }
0x1c: {  	p1 =	slt.u32 s9, $0xF7A;
	s5 =	simm.s32 @!p2 $0x0  }
0x1d: {  	s5 =	simm.s32 @p1 $0x1;
	p0 =	seq.s32 s7, s2  }
0x1e: {  	s7 =	smul.u32 @!p0 $0xF7A, s2;
	p2 =	seq.s32 @!p0 s5, $0x0  }
0x1f: {  	s9 =	smul.u32 $0xF7A, s1;
	s8 =	simm.s32 @!p0 $0x1BF5;
	p2 =	por !p2, p0  }
0x20: {  	[sflag:s8] =	ssyncset.s32 @!p0 $0xFFFFF086;
	s6 =	sadd.s32 @!p0 s3, s7;
	s7 =	simm.s32 @!p0 $0x108  }
0x21: {  	s3 =	sadd.s32 s3, s9;
	s6 =	sadd.s32 @!p0 $0x88, s6;
	s7 =	simm.s32 @p2 $0x1082  }
0x22: {  	[simem:s7], [sflag:s8] =	dma.local @!p0 [hbm:s6], $0xF7A  }
0x23: {  	s9 =	sor.u32 $0xD0000000, s2;
	s6 =	simm.s32 $0x108;
	_ =	swait.ge @!p0 [sflag:s8], $0x0  }
0x24: {  	s3 =	sadd.s32 $0x88, s3;
	s6 =	simm.s32 @!p1 $0x1082;
	[sflag:s4] =	ssyncset.s32 $0xFFFFF086  }
0x25: {  	[simem:s6], [sflag:s4] =	dma.local [hbm:s3], $0xF7A  }
0x26: {  	[smem:$0x3F9C] =	sst s1;
	(tag) =	ssettag s2;
	_ =	strace s9  }
0x27: {  	s1 =	sld [smem:$0x3FAC]  }
0x28: {  	s2 =	sld [smem:$0x3FAD]  }
0x29: {  	s4 =	sld [smem:$0x3FAF]  }
0x2a: {  	p0 =	seq.s32 s5, $0x0;
	s5 =	sld [smem:$0x3FB0]  }
0x2b: {  	s6 =	sld [smem:$0x3FB1]  }
0x2c: {  	s7 =	sld [smem:$0x3FB2]  }
0x2d: {  	s3 =	simm.s32 $0x108;
	s8 =	sld [smem:$0x3FB3]  }
0x2e: {  	s3 =	simm.s32 @!p0 $0x1082;
	s9 =	sld [smem:$0x3FB4]  }
0x2f: {  	lr =	sadd.s32 s0, s3;
	s0 =	sld [smem:$0x3FAB]  }
0x30: {  	s3 =	sld [smem:$0x3FAE]  }
0x31: {  	[smem:$0x3FB7] =	sst s10  }
0x32: {  	s10 =	sld [smem:$0x3FB5];
	_ =	sdelay $0x3  }
0x33: {  	p0 =	seq.s32 s10, $0x1;
	s10 =	sld [smem:$0x3FB7];
	_ =	sdelay $0x3  }
0x34: {  	[smem:$0x3FB7] =	sst s10  }
0x35: {  	s10 =	sld [smem:$0x3FB6];
	_ =	sdelay $0x3  }
0x36: {  	p1 =	seq.s32 s10, $0x1;
	s10 =	sld [smem:$0x3FB7];
	_ =	sdelay $0x3  }
0x37: {  	[smem:$0x3FB7] =	sst s10  }
0x38: {  	s10 =	sld [smem:$0x3FB8]  }
0x39: {  	_ = 	snop;
	(pc) =	sbr.ind lr, $3  }
0x3a: {  	_ = 	snop  }
0x3b: {  	_ = 	snop  }
0x3c: {  	p2 =	seq.s32 s10, $0x1;
	s10 =	sld [smem:$0x3FB7]  }
0x3d: {  	_ =	shalt  }
0x3e: {  	_ =	shalt  }
0x3f: {  	_ =	shalt  }
0x40: {  	_ =	shalt  }
0x41: {  	_ =	shalt  }
0x42: {  	_ =	shalt  }
0x43: {  	_ =	shalt  }
0x44: {  	_ =	shalt  }
0x45: {  	_ =	shalt  }
0x46: {  	_ =	shalt  }
0x47: {  	_ =	shalt  }
0x48: {  	_ =	shalt  }
0x49: {  	_ =	shalt  }
0x4a: {  	_ =	shalt  }
0x4b: {  	_ =	shalt  }
0x4c: {  	_ =	shalt  }
0x4d: {  	_ =	shalt  }
0x4e: {  	_ =	shalt  }
0x4f: {  	_ =	shalt  }
0x50: {  	_ =	shalt  }
0x51: {  	_ =	shalt  }
0x52: {  	_ =	shalt  }
0x53: {  	_ =	shalt  }
0x54: {  	_ =	shalt  }
0x55: {  	_ =	shalt  }
0x56: {  	_ =	shalt  }
0x57: {  	_ =	shalt  }
0x58: {  	_ =	shalt  }
0x59: {  	_ =	shalt  }
0x5a: {  	_ =	shalt  }
0x5b: {  	_ =	shalt  }
0x5c: {  	_ =	shalt  }
0x5d: {  	_ =	shalt  }
0x5e: {  	_ =	shalt  }
0x5f: {  	_ =	shalt  }
0x60: {  	_ =	shalt  }
0x61: {  	_ =	shalt  }
0x62: {  	_ =	shalt  }
0x63: {  	_ =	shalt  }
0x64: {  	_ =	shalt  }
0x65: {  	_ =	shalt  }
0x66: {  	_ =	shalt  }
0x67: {  	_ =	shalt  }
0x68: {  	_ =	shalt  }
0x69: {  	_ =	shalt  }
0x6a: {  	_ =	shalt  }
0x6b: {  	_ =	shalt  }
0x6c: {  	_ =	shalt  }
0x6d: {  	_ =	shalt  }
0x6e: {  	_ =	shalt  }
0x6f: {  	_ =	shalt  }
0x70: {  	_ =	shalt  }
0x71: {  	_ =	shalt  }
0x72: {  	_ =	shalt  }
0x73: {  	_ =	shalt  }
0x74: {  	_ =	shalt  }
0x75: {  	_ =	shalt  }
0x76: {  	_ =	shalt  }
0x77: {  	_ =	shalt  }
0x78: {  	_ =	shalt  }
0x79: {  	_ =	shalt  }
0x7a: {  	_ =	shalt  }
0x7b: {  	_ =	shalt  }
0x7c: {  	_ =	shalt  }
0x7d: {  	_ =	shalt  }
0x7e: {  	_ =	shalt  }
0x7f: {  	_ =	shalt  }
0x80: {  	_ =	shalt  }
0x81: {  	_ =	shalt  }
0x82: {  	_ =	shalt  }
0x83: {  	_ =	shalt  }
0x84: {  	_ =	shalt  }
0x85: {  	_ =	shalt  }
0x86: {  	_ =	shalt  }
0x87: {  	_ =	shalt  }
.Lfunc_end0:
.L_simem_size_0:
called_computation.1_lowered:
.L_overlay_start_0:
0x88: {  	s2 =	sld [smem:$0x3FD9]  }
0x89: {  	s3 =	sld [smem:$0x3FFE];
	_ =	sdelay $0x1  }
0x8a: {  	s1 =	srdreg.scid  }
0x8b: {  	s0 =	sand.u32 $0x1, s1  }
0x8c: {  	s14 =	sshll.u32 s0, $0xA;
	s2 =	sadd.s32 s3, s2  }
0x8d: {  	s2 =	sadd.s32 s2, s14  }
0x8e: {  	[smem:$0x3FC3] =	sst s2  }
0x8f: {  	_ = 	snop  }
0x90: {  	s2 =	sld [smem:$0x3FD0]  }
0x91: {  	s15 =	sld [smem:$0x3FC9]  }
0x92: {  	s4 =	sld [smem:$0x3FC8]  }
0x93: {  	s6 =	simm.s32 $0xA;
	s7 =	simm.s32 $0x10;
	s5 =	sld [smem:$0x3FC7]  }
0x94: {  	[smem:s7], [sflag:s6] =	dma.local [hbm:s2], $0x1  }
0x95: {  	_ =	swait.eq [sflag:s6], $0x1  }
0x96: {  	s16 =	sld [smem:$0x10];
	[sflag:s6] =	ssyncset.done $0x0  }
0x97: {  	s17 =	sld [smem:$0x11];
	[sflag:s6] =	ssyncadd.s32 $0xFFFFFFFF  }
0x98: {  	s18 =	sld [smem:$0x12];
	(tm) =	ssettm $0x1  }
0x99: {  	s8 =	sld [smem:$0x3FFB];
	_ =	sdelay $0x3  }
0x9a: {  	_ =	strace s8  }
0x9b: {  	s8 =	sld [smem:$0x3FFC];
	_ =	sdelay $0x3  }
0x9c: {  	_ =	strace s8  }
0x9d: {  	s8 =	sld [smem:$0x3FFD];
	_ =	sdelay $0x3  }
0x9e: {  	_ =	strace s8  }
0x9f: {  	_ =	strace $0x8FFFFFFF  }
0xa0: {  	s19 =	sld [smem:$0x3FDB];
	_ =	sdelay $0x1  }
0xa1: {  	s9 =	simm.s32 $_scs_section_size  }
0xa2: {  	s10 =	simm.s32 $_size__tile_overlayer_lowered;
	s11 =	simm.s32 $_tile_overlayer_lowered  }
0xa3: {  	s22 =	simm.s32 $0x1BFF;
	s21 =	sshll.u32 s11, $0x1;
	s8 =	sadd.s32 s9, s19  }
0xa4: {  	s12 =	simm.s32 $0x0;
	s20 =	sshll.u32 s10, $0x1;
	s10 =	sadd.s32 s21, s8  }
0xa5: {  	[timem:s12], [sflag:s22] =	dma.local [hbm:s10], s20  }
0xa6: {  	_ =	swait.ge [sflag:s22], s20  }
0xa7: {  	s9 =	ssub.s32 $0x0, s20;
	[sflag:s22] =	ssyncset.done $0x0  }
0xa8: {  	[sflag:s22] =	ssyncadd.s32 s9;
	_ =	sdelay $0x1  }
0xa9: {  	s23 =	simm.s32 $0x1B8B  }
0xaa: {  	_ =	swait.ge [sflag:s23], $0x1  }
0xab: {  	[sflag:s23] =	ssyncset.done $0x0  }
0xac: {  	s25 =	simm.s32 $0x1B8E;
	s24 =	sld [smem:$0x3FFE];
	[sflag:s23] =	ssyncadd.s32 $0xFFFFFFFF  }
0xad: {  	s26 =	simm.s32 $execute0_lowered;
	[smem:$0x3FD2] =	sst s25  }
0xae: {  	s10 =	sshll.u32 s26, $0x1;
	_ =	strace $0x80000046;
	[dreg:$0x1] =	wrdreg $0xFFFFFFFF  }
0xaf: {  	s28 =	simm.s32 $_size_execute0_lowered;
	s8 =	sadd.s32 s8, s10;
	[dreg:$0x0] =	wrdreg $0x0  }
0xb0: {  	s10 =	sshll.u32 s28, $0x1;
	[dreg:$0x2] =	wrdreg s8  }
0xb1: {  	[dreg:$0x3] =	wrdreg s10  }
0xb2: {  	[dreg:$0x4] =	wrdreg $0xC0  }
0xb3: {  	_ =	task [dreg:s12], $0x5FFFF  }
0xb4: {  	[dreg:$0x1] =	wrdreg $0xFFFFFFFF  }
0xb5: {  	[dreg:$0x0] =	wrdreg $0x60  }
0xb6: {  	[dreg:$0x2] =	wrdreg s15  }
0xb7: {  	[dreg:$0x3] =	wrdreg s4  }
0xb8: {  	[dreg:$0x4] =	wrdreg s5  }
0xb9: {  	[dreg:$0x5] =	wrdreg s24  }
0xba: {  	[dreg:$0x6] =	wrdreg s16  }
0xbb: {  	[dreg:$0x7] =	wrdreg s17  }
0xbc: {  	[dreg:$0x8] =	wrdreg s18  }
0xbd: {  	[dreg:$0x9] =	wrdreg $0x9  }
0xbe: {  	_ =	task.clear_ibuf [dreg:s12], $0xAFFFF;
	_ =	strace $0x90000046  }
0xbf: {  	s29 =	simm.s32 $0x9;
	_ =	strace $0x80000048  }
0xc0: {  	_ =	swait.ge [sflag:s29], $0x1  }
0xc1: {  	[sflag:s29] =	ssyncadd.s32 $0xFFFFFFFF  }
0xc2: {  	_ =	strace $0x90000048  }
0xc3: {  	_ =	sfence  }
0xc4: {  	s30 =	sld [smem:$0x0];
	_ =	sdelay $0x2  }
0xc5: {  	s31 =	sshll.u32 s1, $0xD;
	s1 =	sshrl.u32 s1, $0x2  }
0xc6: {  	s3 =	sand.u32 $0x4000, s31;
	s1 =	sadd.s32 s1, s30  }
0xc7: {  	s0 =	sor.u32 s3, s0;
	s1 =	sshll.u32 s1, $0x11  }
0xc8: {  	s0 =	sor.u32 s1, s0  }
0xc9: {  	s0 =	sadd.s32 $0x8F2B, s0  }
0xca: {  	[sflag:s0] =	ssyncadd.remote.s32 $0x1  }
0xcb: {  	_ =	sfence.sel $0xFFFF  }
0xcc: {  	[dreg:$0x0] =	wrdreg $0xFFFFFFFF;
	(pc) =	sbr.abs _section_cstart, $3  }
0xcd: {  	[dreg:$0x1] =	wrdreg $0xFFFFFFFF  }
0xce: {  	_ =	task.clear_ibuf [dreg:s12], $0x2FFFF;
	_ =	strace $0x9FFFFFFF  }
0xcf: {  	(tm) =	ssettm $0x7FFFFFFF  }
tec
execute0_lowered:
.L_overlay_start_1:
0x0: {  	(tag) =	ssettag $0x1  }
0x1: {  	s0 =	rddreg [dreg:$0x0]  }
0x2: {  	s1 =	rddreg [dreg:$0x1]  }
0x3: {  	s5 =	rddreg [dreg:$0x2]  }
0x4: {  	s4 =	rddreg [dreg:$0x3]  }
0x5: {  	s6 =	rddreg [dreg:$0x4]  }
0x6: {  	s7 =	rddreg [dreg:$0x5]  }
0x7: {  	s14 =	rddreg [dreg:$0x6];
	s2 =	simm.s32 $0x0;
	s3 =	srdreg.scid  }
0x8: {  	s15 =	stileid.u32;
	s16 =	simm.s32 $0x200;
	s17 =	simm.s32 $0x400  }
0x9: {  	s18 =	simm.s32 $0x80;
	s19 =	simm.s32 $0x2C00;
	s20 =	simm.s32 $0x4C00  }
0xa: {  	s22 =	simm.s32 $0x6C00;
	s28 =	simm.s32 $0xCC00;
	s30 =	simm.s32 $0xEC00  }
0xb: {  	s21 =	simm.s32 $0x2;
	s29 =	simm.s32 $0x0;
	[smem:$0x7FF] =	sst s2  }
0xc: {  	s8 =	sand.u32 $0x1, s3;
	s3 =	sadd.s32 $0xF43400, s4;
	s4 =	sadd.s32 $0x16E4600, s4  }
0xd: {  	s9 =	sshll.u32 s15, $0x1;
	s15 =	smul.u32 $0x140000, s15;
	_ =	strace $0x80000047  }
0xe: {  	s9 =	sor.u32 s8, s9;
	s10 =	ssub.s32 $0x2, s8;
	s23 =	smul.u32 $0xA0000, s8  }
0xf: {  	s11 =	smul.u32 $0x500, s9;
	s12 =	sshrl.u32 s10, $0x1;
	s13 =	sshll.u32 s9, $0x6  }
0x10: {  	s24 =	sshll.u32 s9, $0xC;
	s25 =	smul.u32 $0x14000, s9;
	s0 =	sadd.s32 s0, s13  }
0x11: {  	s12 =	ssub.s32 s10, s12;
	s1 =	sadd.s32 s1, s13;
	[dreg:$0x8] =	wrdreg s0  }
0x12: {  	s26 =	sadd.s32 s6, s24;
	[dreg:$0x9] =	wrdreg s1;
	s5 =	sadd.s32 s5, s11  }
0x13: {  	[dreg:$0xb] =	wrdreg s26;
	s0 =	sadd.s32 s23, s15;
	s1 =	sadd.s32 s7, s24  }
0x14: {  	s10 =	sadd.s32 s14, s25;
	s12 =	smax.u32 s12, $0x1;
	s15 =	simm.s32 $0x5  }
0x15: {  	s24 =	simm.s32 $0x8C00;
	s25 =	simm.s32 $0xAC00;
	s23 =	simm.s32 $0x3  }
0x16: {  	s26 =	simm.s32 $0x4;
	[dreg:$0xa] =	wrdreg s5;
	s31 =	sor.u32 $0x10000, s0  }
0x17: {  	[dreg:$0xc] =	wrdreg s1;
	s0 =	sor.u32 $0x18000, s0;
	s1 =	sshrl.u32 s31, $0x3  }
0x18: {  	s11 =	sadd.s32 $0x1000, s10;
	s0 =	sshrl.u32 s0, $0x3;
	s13 =	sadd.s32 s1, s14  }
0x19: {  	s7 =	sadd.s32 s0, s14;
	s0 =	simm.s32 $0x10C00;
	s1 =	simm.s32 $0x1  }
.LBB2_1:
0x1a: {  	s5 =	rddreg [dreg:$0x8]  }
0x1b: {  	[tilespmem:s2], [sflag:$0x5] =	stream.linear.gather [hbm4b:s5+s2], $0x200, $0x38;
	[tilespmem:$0x12C00] =	vst v63  }
0x1c: {  	_ =	swait.ge [sflag:s15], $0x200  }
0x1d: {  	[sflag:s15] =	ssyncset.done $0x0  }
0x1e: {  	s6 =	rddreg [dreg:$0x9];
	[sflag:s15] =	ssyncadd.s32 $0xFFFFFE00  }
0x1f: {  	[tilespmem:s16], [sflag:$0x5] =	stream.linear.gather [hbm4b:s6+s2], $0x200, $0x38;
	[tilespmem:$0x12C00] =	vst v63  }
0x20: {  	_ =	swait.ge [sflag:s15], $0x200  }
0x21: {  	[sflag:s15] =	ssyncset.done $0x0  }
0x22: {  	s8 =	rddreg [dreg:$0xa];
	[sflag:s15] =	ssyncadd.s32 $0xFFFFFE00  }
0x23: {  	[tilespmem:s17], [sflag:$0x5] =	stream.linear.gather [hbm4b:s8+s2], $0x2800, $0x38;
	[tilespmem:$0x12C00] =	vst v63  }
0x24: {  	_ =	swait.ge [sflag:s15], $0x2800  }
0x25: {  	[sflag:s15] =	ssyncset.done $0x0  }
0x26: {  	[sflag:s15] =	ssyncadd.s32 $0xFFFFD800  }
0x27: {  	[tilespmem:s19], [sflag:$0x1] =	stream.indirect.gather [hbm4b:s3+s18], $0x40, s2, s18, $0xb8;
	[tilespmem:$0x12C00] =	vst v63  }
0x28: {  	_ = 	snop  }
0x29: {  	[tilespmem:s20], [sflag:$0x1] =	stream.indirect.gather [hbm4b:s3+s18], $0x40, s18, s18, $0xb8;
	[tilespmem:$0x12C00] =	vst v63  }
0x2a: {  	s9 =	simm.s32 $0x100  }
0x2b: {  	[tilespmem:s22], [sflag:$0x1] =	stream.indirect.gather [hbm4b:s3+s18], $0x40, s9, s18, $0xb8;
	[tilespmem:$0x12C00] =	vst v63  }
0x2c: {  	s14 =	simm.s32 $0x180  }
0x2d: {  	[tilespmem:s24], [sflag:$0x1] =	stream.indirect.gather [hbm4b:s3+s18], $0x40, s14, s18, $0xb8;
	[tilespmem:$0x12C00] =	vst v63  }
0x2e: {  	_ = 	snop  }
0x2f: {  	[tilespmem:s25], [sflag:$0x2] =	stream.indirect.gather [hbm4b:s4+s18], $0x40, s16, s18, $0xb8;
	[tilespmem:$0x12C00] =	vst v63  }
0x30: {  	s6 =	simm.s32 $0x280  }
0x31: {  	[tilespmem:s28], [sflag:$0x2] =	stream.indirect.gather [hbm4b:s4+s18], $0x40, s6, s18, $0xb8;
	[tilespmem:$0x12C00] =	vst v63  }
0x32: {  	s8 =	simm.s32 $0x300  }
0x33: {  	[tilespmem:s30], [sflag:$0x2] =	stream.indirect.gather [hbm4b:s4+s18], $0x40, s8, s18, $0xb8;
	[tilespmem:$0x12C00] =	vst v63  }
0x34: {  	s9 =	simm.s32 $0x380  }
0x35: {  	[tilespmem:s0], [sflag:$0x2] =	stream.indirect.gather [hbm4b:s4+s18], $0x40, s9, s18, $0xb8;
	[tilespmem:$0x12C00] =	vst v63  }
0x36: {  	_ =	swait.ge [sflag:s1], $0x2000  }
0x37: {  	[sflag:s1] =	ssyncset.done $0x0  }
0x38: {  	[sflag:s1] =	ssyncadd.s32 $0xFFFFE000  }
0x39: {  	_ =	swait.ge [sflag:s1], $0x2000  }
0x3a: {  	[sflag:s1] =	ssyncset.done $0x0  }
0x3b: {  	[sflag:s1] =	ssyncadd.s32 $0xFFFFE000  }
0x3c: {  	_ =	swait.ge [sflag:s1], $0x2000  }
0x3d: {  	[sflag:s1] =	ssyncset.done $0x0  }
0x3e: {  	[sflag:s1] =	ssyncadd.s32 $0xFFFFE000  }
0x3f: {  	_ =	swait.ge [sflag:s1], $0x2000  }
0x40: {  	[sflag:s1] =	ssyncset.done $0x0  }
0x41: {  	s14 =	rddreg [dreg:$0xb];
	[sflag:s1] =	ssyncadd.s32 $0xFFFFE000  }
0x42: {  	[hbm4b:s14+s2] =	stream.linear.scatter [tilespmem:s19], [sflag:$0x3], $0x8000, $0x38;
	[tilespmem:$0x12C00] =	vst v63  }
0x43: {  	_ =	swait.ge [sflag:s21], $0x2000  }
0x44: {  	[sflag:s21] =	ssyncset.done $0x0  }
0x45: {  	[sflag:s21] =	ssyncadd.s32 $0xFFFFE000  }
0x46: {  	_ =	swait.ge [sflag:s21], $0x2000  }
0x47: {  	[sflag:s21] =	ssyncset.done $0x0  }
0x48: {  	[sflag:s21] =	ssyncadd.s32 $0xFFFFE000  }
0x49: {  	_ =	swait.ge [sflag:s21], $0x2000  }
0x4a: {  	[sflag:s21] =	ssyncset.done $0x0  }
0x4b: {  	[sflag:s21] =	ssyncadd.s32 $0xFFFFE000  }
0x4c: {  	_ =	swait.ge [sflag:s21], $0x2000  }
0x4d: {  	[sflag:s21] =	ssyncset.done $0x0  }
0x4e: {  	s6 =	rddreg [dreg:$0xc];
	[sflag:s21] =	ssyncadd.s32 $0xFFFFE000  }
0x4f: {  	[hbm4b:s6+s2] =	stream.linear.scatter [tilespmem:s25], [sflag:$0x4], $0x8000, $0x38;
	[tilespmem:$0x12C00] =	vst v63  }
0x50: {  	_ =	swait.ge [sflag:s23], $0x8000  }
0x51: {  	[sflag:s23] =	ssyncset.done $0x0  }
0x52: {  	[sflag:s23] =	ssyncadd.s32 $0xFFFF8000  }
0x53: {  	[tilespmem:s19], [sflag:$0x1] =	stream.indirect.gather [hbm4b:s4+s18], $0x40, s17, s18, $0xb8;
	[tilespmem:$0x12C00] =	vst v63  }
0x54: {  	s8 =	simm.s32 $0x480  }
0x55: {  	[tilespmem:s20], [sflag:$0x1] =	stream.indirect.gather [hbm4b:s4+s18], $0x40, s8, s18, $0xb8;
	[tilespmem:$0x12C00] =	vst v63  }
0x56: {  	s9 =	simm.s32 $0x500  }
0x57: {  	[tilespmem:s22], [sflag:$0x1] =	stream.indirect.gather [hbm4b:s4+s18], $0x40, s9, s18, $0xb8;
	[tilespmem:$0x12C00] =	vst v63  }
0x58: {  	s14 =	simm.s32 $0x580  }
0x59: {  	[tilespmem:s24], [sflag:$0x1] =	stream.indirect.gather [hbm4b:s4+s18], $0x40, s14, s18, $0xb8;
	[tilespmem:$0x12C00] =	vst v63  }
0x5a: {  	_ =	swait.ge [sflag:s1], $0x2000  }
0x5b: {  	[sflag:s1] =	ssyncset.done $0x0  }
0x5c: {  	[sflag:s1] =	ssyncadd.s32 $0xFFFFE000  }
0x5d: {  	_ =	swait.ge [sflag:s1], $0x2000  }
0x5e: {  	[sflag:s1] =	ssyncset.done $0x0  }
0x5f: {  	[sflag:s1] =	ssyncadd.s32 $0xFFFFE000  }
0x60: {  	_ =	swait.ge [sflag:s1], $0x2000  }
0x61: {  	[sflag:s1] =	ssyncset.done $0x0  }
0x62: {  	[sflag:s1] =	ssyncadd.s32 $0xFFFFE000  }
0x63: {  	_ =	swait.ge [sflag:s1], $0x2000  }
0x64: {  	[sflag:s1] =	ssyncset.done $0x0  }
0x65: {  	[sflag:s1] =	ssyncadd.s32 $0xFFFFE000  }
0x66: {  	[hbm4b:s10+s2] =	stream.linear.scatter [tilespmem:s19], [sflag:$0x3], $0x8000, $0x38;
	[tilespmem:$0x12C00] =	vst v63  }
0x67: {  	_ =	swait.ge [sflag:s26], $0x8000  }
0x68: {  	[sflag:s26] =	ssyncset.done $0x0  }
0x69: {  	s6 =	simm.s32 $0x600;
	[sflag:s26] =	ssyncadd.s32 $0xFFFF8000  }
0x6a: {  	[tilespmem:s25], [sflag:$0x2] =	stream.indirect.gather [hbm4b:s4+s18], $0x40, s6, s18, $0xb8;
	[tilespmem:$0x12C00] =	vst v63  }
0x6b: {  	s8 =	simm.s32 $0x680  }
0x6c: {  	[tilespmem:s28], [sflag:$0x2] =	stream.indirect.gather [hbm4b:s4+s18], $0x40, s8, s18, $0xb8;
	[tilespmem:$0x12C00] =	vst v63  }
0x6d: {  	s9 =	simm.s32 $0x700  }
0x6e: {  	[tilespmem:s30], [sflag:$0x2] =	stream.indirect.gather [hbm4b:s4+s18], $0x40, s9, s18, $0xb8;
	[tilespmem:$0x12C00] =	vst v63  }
0x6f: {  	s14 =	simm.s32 $0x780  }
0x70: {  	[tilespmem:s0], [sflag:$0x2] =	stream.indirect.gather [hbm4b:s4+s18], $0x40, s14, s18, $0xb8;
	[tilespmem:$0x12C00] =	vst v63  }
0x71: {  	_ =	swait.ge [sflag:s21], $0x2000  }
0x72: {  	[sflag:s21] =	ssyncset.done $0x0  }
0x73: {  	[sflag:s21] =	ssyncadd.s32 $0xFFFFE000  }
0x74: {  	_ =	swait.ge [sflag:s21], $0x2000  }
0x75: {  	[sflag:s21] =	ssyncset.done $0x0  }
0x76: {  	[sflag:s21] =	ssyncadd.s32 $0xFFFFE000  }
0x77: {  	_ =	swait.ge [sflag:s21], $0x2000  }
0x78: {  	[sflag:s21] =	ssyncset.done $0x0  }
0x79: {  	[sflag:s21] =	ssyncadd.s32 $0xFFFFE000  }
0x7a: {  	_ =	swait.ge [sflag:s21], $0x2000  }
0x7b: {  	[sflag:s21] =	ssyncset.done $0x0  }
0x7c: {  	[sflag:s21] =	ssyncadd.s32 $0xFFFFE000  }
0x7d: {  	[hbm4b:s11+s2] =	stream.linear.scatter [tilespmem:s25], [sflag:$0x4], $0x8000, $0x38;
	[tilespmem:$0x12C00] =	vst v63  }
0x7e: {  	_ =	swait.ge [sflag:s23], $0x1000  }
0x7f: {  	[sflag:s23] =	ssyncset.done $0x0  }
0x80: {  	s6 =	simm.s32 $0x800;
	[sflag:s23] =	ssyncadd.s32 $0xFFFFF000  }
0x81: {  	[tilespmem:s19], [sflag:$0x1] =	stream.indirect.gather [hbm4b:s4+s18], $0x40, s6, s18, $0xb8;
	[tilespmem:$0x12C00] =	vst v63  }
0x82: {  	s8 =	simm.s32 $0x880  }
0x83: {  	[tilespmem:s20], [sflag:$0x1] =	stream.indirect.gather [hbm4b:s4+s18], $0x40, s8, s18, $0xb8;
	[tilespmem:$0x12C00] =	vst v63  }
0x84: {  	s9 =	simm.s32 $0x900  }
0x85: {  	[tilespmem:s22], [sflag:$0x1] =	stream.indirect.gather [hbm4b:s4+s18], $0x40, s9, s18, $0xb8;
	[tilespmem:$0x12C00] =	vst v63  }
0x86: {  	s14 =	simm.s32 $0x980  }
0x87: {  	[tilespmem:s24], [sflag:$0x1] =	stream.indirect.gather [hbm4b:s4+s18], $0x40, s14, s18, $0xb8;
	[tilespmem:$0x12C00] =	vst v63  }
0x88: {  	_ =	swait.ge [sflag:s1], $0x2000  }
0x89: {  	[sflag:s1] =	ssyncset.done $0x0  }
0x8a: {  	[sflag:s1] =	ssyncadd.s32 $0xFFFFE000  }
0x8b: {  	_ =	swait.ge [sflag:s1], $0x2000  }
0x8c: {  	[sflag:s1] =	ssyncset.done $0x0  }
0x8d: {  	[sflag:s1] =	ssyncadd.s32 $0xFFFFE000  }
0x8e: {  	_ =	swait.ge [sflag:s1], $0x2000  }
0x8f: {  	[sflag:s1] =	ssyncset.done $0x0  }
0x90: {  	[sflag:s1] =	ssyncadd.s32 $0xFFFFE000  }
0x91: {  	_ =	swait.ge [sflag:s1], $0x2000  }
0x92: {  	[sflag:s1] =	ssyncset.done $0x0  }
0x93: {  	[sflag:s1] =	ssyncadd.s32 $0xFFFFE000  }
0x94: {  	[hbm4b:s13+s2] =	stream.linear.scatter [tilespmem:s19], [sflag:$0x3], $0x8000, $0x38;
	[tilespmem:$0x12C00] =	vst v63  }
0x95: {  	_ =	swait.ge [sflag:s26], $0x1000  }
0x96: {  	[sflag:s26] =	ssyncset.done $0x0  }
0x97: {  	s6 =	simm.s32 $0xA00;
	[sflag:s26] =	ssyncadd.s32 $0xFFFFF000  }
0x98: {  	[tilespmem:s25], [sflag:$0x2] =	stream.indirect.gather [hbm4b:s4+s18], $0x40, s6, s18, $0xb8;
	[tilespmem:$0x12C00] =	vst v63  }
0x99: {  	s8 =	simm.s32 $0xA80  }
0x9a: {  	[tilespmem:s28], [sflag:$0x2] =	stream.indirect.gather [hbm4b:s4+s18], $0x40, s8, s18, $0xb8;
	[tilespmem:$0x12C00] =	vst v63  }
0x9b: {  	s9 =	simm.s32 $0xB00  }
0x9c: {  	[tilespmem:s30], [sflag:$0x2] =	stream.indirect.gather [hbm4b:s4+s18], $0x40, s9, s18, $0xb8;
	[tilespmem:$0x12C00] =	vst v63  }
0x9d: {  	s14 =	simm.s32 $0xB80  }
0x9e: {  	[tilespmem:s0], [sflag:$0x2] =	stream.indirect.gather [hbm4b:s4+s18], $0x40, s14, s18, $0xb8;
	[tilespmem:$0x12C00] =	vst v63  }
0x9f: {  	_ =	swait.ge [sflag:s21], $0x2000  }
0xa0: {  	[sflag:s21] =	ssyncset.done $0x0  }
0xa1: {  	[sflag:s21] =	ssyncadd.s32 $0xFFFFE000  }
0xa2: {  	_ =	swait.ge [sflag:s21], $0x2000  }
0xa3: {  	[sflag:s21] =	ssyncset.done $0x0  }
0xa4: {  	[sflag:s21] =	ssyncadd.s32 $0xFFFFE000  }
0xa5: {  	_ =	swait.ge [sflag:s21], $0x2000  }
0xa6: {  	[sflag:s21] =	ssyncset.done $0x0  }
0xa7: {  	[sflag:s21] =	ssyncadd.s32 $0xFFFFE000  }
0xa8: {  	_ =	swait.ge [sflag:s21], $0x2000  }
0xa9: {  	s31 =	simm.s32 $0x1000;
	s5 =	sadd.s32 $0x2000, s13;
	[sflag:s21] =	ssyncset.done $0x0  }
0xaa: {  	s6 =	sadd.s32 $0x2000, s7;
	s14 =	smov.u32 s7;
	[sflag:s21] =	ssyncadd.s32 $0xFFFFE000  }
.LBB2_2:
0xab: {  	[hbm4b:s14+s2] =	stream.linear.scatter [tilespmem:s25], [sflag:$0x4], $0x8000, $0x38;
	[tilespmem:$0x12C00] =	vst v63  }
0xac: {  	s8 =	smov.u32 s31;
	s14 =	smov.u32 s6  }
0xad: {  	p0 =	sne.s32 s31, $0x8000;
	s31 =	sadd.s32 $0x1000, s31;
	_ =	swait.ge [sflag:s23], $0x1000  }
0xae: {  	s8 =	sshra.s32 s8, $0x2;
	[sflag:s23] =	ssyncset.done $0x0  }
0xaf: {  	s9 =	sadd.s32 $0x800, s8;
	[sflag:s23] =	ssyncadd.s32 $0xFFFFF000  }
0xb0: {  	[tilespmem:s19], [sflag:$0x1] =	stream.indirect.gather [hbm4b:s4+s18], $0x40, s9, s18, $0xb8;
	[tilespmem:$0x12C00] =	vst v63  }
0xb1: {  	s9 =	sadd.s32 $0x880, s8  }
0xb2: {  	[tilespmem:s20], [sflag:$0x1] =	stream.indirect.gather [hbm4b:s4+s18], $0x40, s9, s18, $0xb8;
	[tilespmem:$0x12C00] =	vst v63  }
0xb3: {  	s9 =	sadd.s32 $0x900, s8  }
0xb4: {  	[tilespmem:s22], [sflag:$0x1] =	stream.indirect.gather [hbm4b:s4+s18], $0x40, s9, s18, $0xb8;
	[tilespmem:$0x12C00] =	vst v63  }
0xb5: {  	s9 =	sadd.s32 $0x980, s8  }
0xb6: {  	[tilespmem:s24], [sflag:$0x1] =	stream.indirect.gather [hbm4b:s4+s18], $0x40, s9, s18, $0xb8;
	[tilespmem:$0x12C00] =	vst v63  }
0xb7: {  	_ =	swait.ge [sflag:s1], $0x2000  }
0xb8: {  	[sflag:s1] =	ssyncset.done $0x0  }
0xb9: {  	[sflag:s1] =	ssyncadd.s32 $0xFFFFE000  }
0xba: {  	_ =	swait.ge [sflag:s1], $0x2000  }
0xbb: {  	[sflag:s1] =	ssyncset.done $0x0  }
0xbc: {  	[sflag:s1] =	ssyncadd.s32 $0xFFFFE000  }
0xbd: {  	_ =	swait.ge [sflag:s1], $0x2000  }
0xbe: {  	[sflag:s1] =	ssyncset.done $0x0  }
0xbf: {  	[sflag:s1] =	ssyncadd.s32 $0xFFFFE000  }
0xc0: {  	_ =	swait.ge [sflag:s1], $0x2000  }
0xc1: {  	[sflag:s1] =	ssyncset.done $0x0  }
0xc2: {  	[sflag:s1] =	ssyncadd.s32 $0xFFFFE000  }
0xc3: {  	[hbm4b:s5+s2] =	stream.linear.scatter [tilespmem:s19], [sflag:$0x3], $0x8000, $0x38;
	[tilespmem:$0x12C00] =	vst v63  }
0xc4: {  	_ =	swait.ge [sflag:s26], $0x1000  }
0xc5: {  	[sflag:s26] =	ssyncset.done $0x0  }
0xc6: {  	s9 =	sadd.s32 $0xA00, s8;
	[sflag:s26] =	ssyncadd.s32 $0xFFFFF000  }
0xc7: {  	[tilespmem:s25], [sflag:$0x2] =	stream.indirect.gather [hbm4b:s4+s18], $0x40, s9, s18, $0xb8;
	[tilespmem:$0x12C00] =	vst v63  }
0xc8: {  	s9 =	sadd.s32 $0xA80, s8  }
0xc9: {  	[tilespmem:s28], [sflag:$0x2] =	stream.indirect.gather [hbm4b:s4+s18], $0x40, s9, s18, $0xb8;
	[tilespmem:$0x12C00] =	vst v63  }
0xca: {  	s9 =	sadd.s32 $0xB00, s8  }
0xcb: {  	[tilespmem:s30], [sflag:$0x2] =	stream.indirect.gather [hbm4b:s4+s18], $0x40, s9, s18, $0xb8;
	[tilespmem:$0x12C00] =	vst v63  }
0xcc: {  	s8 =	sadd.s32 $0xB80, s8  }
0xcd: {  	[tilespmem:s0], [sflag:$0x2] =	stream.indirect.gather [hbm4b:s4+s18], $0x40, s8, s18, $0xb8;
	[tilespmem:$0x12C00] =	vst v63  }
0xce: {  	_ =	swait.ge [sflag:s21], $0x2000  }
0xcf: {  	[sflag:s21] =	ssyncset.done $0x0  }
0xd0: {  	[sflag:s21] =	ssyncadd.s32 $0xFFFFE000  }
0xd1: {  	_ =	swait.ge [sflag:s21], $0x2000  }
0xd2: {  	[sflag:s21] =	ssyncset.done $0x0  }
0xd3: {  	[sflag:s21] =	ssyncadd.s32 $0xFFFFE000  }
0xd4: {  	_ =	swait.ge [sflag:s21], $0x2000  }
.Ltmp0:
0xd5: {  	[sflag:s21] =	ssyncset.done $0x0;
	(pc) =	sbr.rel @p0 .LBB2_2-.Ltmp0, $4  }
0xd6: {  	[sflag:s21] =	ssyncadd.s32 $0xFFFFE000  }
0xd7: {  	_ =	swait.ge [sflag:s21], $0x2000  }
0xd8: {  	[sflag:s21] =	ssyncset.done $0x0  }
0xd9: {  	s6 =	sadd.s32 $0x2000, s6;
	s5 =	sadd.s32 $0x2000, s5;
	[sflag:s21] =	ssyncadd.s32 $0xFFFFE000  }
0xda: {  	[hbm4b:s14+s2] =	stream.linear.scatter [tilespmem:s25], [sflag:$0x4], $0x8000, $0x38;
	[tilespmem:$0x12C00] =	vst v63  }
0xdb: {  	s29 =	sadd.s32 $0x1, s29  }
0xdc: {  	_ =	swait.ge [sflag:s23], $0x1000;
	p0 =	sne.s32 s29, s12  }
.Ltmp1:
0xdd: {  	[sflag:s23] =	ssyncset.done $0x0;
	(pc) =	sbr.rel @p0 .LBB2_1-.Ltmp1, $4  }
0xde: {  	[sflag:s23] =	ssyncadd.s32 $0xFFFFF000  }
0xdf: {  	_ =	swait.ge [sflag:s26], $0x1000  }
0xe0: {  	[sflag:s26] =	ssyncset.done $0x0  }
0xe1: {  	[sflag:s26] =	ssyncadd.s32 $0xFFFFF000  }
0xe2: {  	_ =	sfence.sel $0x180000  }
0xe3: {  	[bflag:$0x0] =	sbarrier.arrive $0xFFFF  }
0xe4: {  	_ =	strace $0x90000047  }
0xe5: {  	s0 =	stileid.u32;
	[bflag:$0x2] =	sbarrier.arrive $0xFFFF  }
0xe6: {  	p0 =	sne.s32 s0, $0x0;
	s0 =	rddreg [dreg:$0x7]  }
0xe7: {  	s0 =	sadd.s32 @!p0 $0x100000, s0  }
0xe8: {  	[sflag:s0] =	ssyncadd.tile.s32 @!p0 $0x1;
	_ =	shalt  }
.Lfunc_end2:
_tile_overlayer_lowered:
.L_overlay_start_2:
0xe9: {  	(tag) =	ssettag $0x2  }
0xea: {  	s0 =	rddreg [dreg:$0x0];
	s2 =	stileid.u32  }
0xeb: {  	s1 =	rddreg [dreg:$0x1];
	p0 =	sne.s32 s2, $0x0  }
0xec: {  	s3 =	rddreg [dreg:$0x2];
	[bflag:$0x3] =	sbarrier.arrive $0xFFFF;
	s2 =	simm.s32 @!p0 $0x1C05  }
0xed: {  	[timem:s3], [sflag:s2] =	dma.local @!p0 [hbm:s0], s1  }
0xee: {  	s0 =	simm.s32 @!p0 $0x5  }
0xef: {  	_ =	swait.ge @!p0 [sflag:s0], s1  }
0xf0: {  	s1 =	ssub.s32 @!p0 $0x0, s1;
	[sflag:s0] =	ssyncset.done @!p0 $0x0  }
0xf1: {  	[sflag:s0] =	ssyncadd.s32 @!p0 s1  }
0xf2: {  	[bflag:$0x3] =	sbarrier.arrive $0xFFFF  }
0xf3: {  	_ =	shalt  }

// kernel: sparse-core-data-format-call.cloned.1.call-start
scs
called_computation_lowered:
.L_overlay_start_0:
0x0: {  	s2 =	sld [smem:$0x3FD9]  }
0x1: {  	s3 =	sld [smem:$0x3FFE];
	_ =	sdelay $0x1  }
0x2: {  	s1 =	srdreg.scid  }
0x3: {  	s0 =	sand.u32 $0x1, s1  }
0x4: {  	s15 =	sshll.u32 s0, $0xA;
	s2 =	sadd.s32 s3, s2  }
0x5: {  	s2 =	sadd.s32 s2, s15  }
0x6: {  	[smem:$0x3FC3] =	sst s2  }
0x7: {  	_ = 	snop  }
0x8: {  	s2 =	sld [smem:$0x3FD0];
	_ =	sdelay $0x2  }
0x9: {  	s16 =	simm.s32 $0xA;
	s4 =	simm.s32 $0x10  }
0xa: {  	[smem:s4], [sflag:s16] =	dma.local [hbm:s2], $0x1  }
0xb: {  	_ =	swait.eq [sflag:s16], $0x1  }
0xc: {  	[sflag:s16] =	ssyncset.done $0x0  }
0xd: {  	[sflag:s16] =	ssyncadd.s32 $0xFFFFFFFF  }
0xe: {  	s17 =	sld [smem:$0x12];
	(tm) =	ssettm $0x1  }
0xf: {  	s18 =	sld [smem:$0x3FFB];
	_ =	sdelay $0x3  }
0x10: {  	_ =	strace s18  }
0x11: {  	s3 =	sld [smem:$0x3FFC];
	_ =	sdelay $0x3  }
0x12: {  	_ =	strace s3  }
0x13: {  	s3 =	sld [smem:$0x3FFD];
	_ =	sdelay $0x3  }
0x14: {  	_ =	strace s3  }
0x15: {  	_ =	strace $0x8FFFFFFF  }
0x16: {  	s19 =	sld [smem:$0x3FDB];
	_ =	sdelay $0x1  }
0x17: {  	s20 =	simm.s32 $_scs_section_size  }
0x18: {  	s5 =	simm.s32 $_size__tile_overlayer_lowered;
	s6 =	simm.s32 $_tile_overlayer_lowered  }
0x19: {  	s23 =	simm.s32 $0x1BFF;
	s22 =	sshll.u32 s6, $0x1;
	s3 =	sadd.s32 s20, s19  }
0x1a: {  	s7 =	simm.s32 $0x0;
	s21 =	sshll.u32 s5, $0x1;
	s5 =	sadd.s32 s22, s3  }
0x1b: {  	[timem:s7], [sflag:s23] =	dma.local [hbm:s5], s21  }
0x1c: {  	_ =	swait.ge [sflag:s23], s21  }
0x1d: {  	s4 =	ssub.s32 $0x0, s21;
	[sflag:s23] =	ssyncset.done $0x0  }
0x1e: {  	[sflag:s23] =	ssyncadd.s32 s4;
	_ =	sdelay $0x1  }
0x1f: {  	s24 =	simm.s32 $0x1B8B  }
0x20: {  	_ =	swait.ge [sflag:s24], $0x1  }
0x21: {  	[sflag:s24] =	ssyncset.done $0x0  }
0x22: {  	s26 =	simm.s32 $0x1B8E;
	s25 =	sld [smem:$0x3FFE];
	[sflag:s24] =	ssyncadd.s32 $0xFFFFFFFF  }
0x23: {  	s27 =	simm.s32 $execute0_lowered;
	[smem:$0x3FD2] =	sst s26  }
0x24: {  	s5 =	sshll.u32 s27, $0x1;
	_ =	strace $0x80000049;
	[dreg:$0x1] =	wrdreg $0xFFFFFFFF  }
0x25: {  	s28 =	simm.s32 $_size_execute0_lowered;
	s3 =	sadd.s32 s3, s5;
	[dreg:$0x0] =	wrdreg $0x0  }
0x26: {  	s5 =	sshll.u32 s28, $0x1;
	[dreg:$0x2] =	wrdreg s3  }
0x27: {  	[dreg:$0x3] =	wrdreg s5  }
0x28: {  	[dreg:$0x4] =	wrdreg $0xC0  }
0x29: {  	_ =	task [dreg:s7], $0x5FFFF  }
0x2a: {  	[dreg:$0x1] =	wrdreg $0xFFFFFFFF  }
0x2b: {  	[dreg:$0x0] =	wrdreg $0x60  }
0x2c: {  	[dreg:$0x2] =	wrdreg s25  }
0x2d: {  	[dreg:$0x3] =	wrdreg s17  }
0x2e: {  	[dreg:$0x4] =	wrdreg $0x9  }
0x2f: {  	_ =	task.clear_ibuf [dreg:s7], $0x5FFFF;
	_ =	strace $0x90000049  }
0x30: {  	s29 =	simm.s32 $0x9;
	_ =	strace $0x8000004B  }
0x31: {  	_ =	swait.ge [sflag:s29], $0x1  }
0x32: {  	[sflag:s29] =	ssyncadd.s32 $0xFFFFFFFF  }
0x33: {  	_ =	strace $0x9000004B  }
0x34: {  	_ =	sfence  }
0x35: {  	s30 =	sld [smem:$0x0];
	_ =	sdelay $0x2  }
0x36: {  	s31 =	sshll.u32 s1, $0xD;
	s1 =	sshrl.u32 s1, $0x2  }
0x37: {  	s3 =	sand.u32 $0x4000, s31;
	s1 =	sadd.s32 s1, s30  }
0x38: {  	s0 =	sor.u32 s3, s0;
	s1 =	sshll.u32 s1, $0x11  }
0x39: {  	s0 =	sor.u32 s1, s0  }
0x3a: {  	s0 =	sadd.s32 $0x8F2B, s0  }
0x3b: {  	[sflag:s0] =	ssyncadd.remote.s32 $0x1  }
0x3c: {  	_ =	sfence.sel $0xFFFF  }
0x3d: {  	[dreg:$0x0] =	wrdreg $0xFFFFFFFF;
	(pc) =	sbr.abs _section_cstart, $3  }
0x3e: {  	[dreg:$0x1] =	wrdreg $0xFFFFFFFF  }
0x3f: {  	_ =	task.clear_ibuf [dreg:s7], $0x2FFFF;
	_ =	strace $0x9FFFFFFF  }
0x40: {  	(tm) =	ssettm $0x7FFFFFFF  }
0x41: {  	_ =	shalt  }
tec
execute0_lowered:
.L_overlay_start_1:
0x0: {  	(tag) =	ssettag $0x1  }
0x1: {  	s0 =	srdreg.scid  }
0x2: {  	s1 =	sshll.u32 s0, $0x4  }
0x3: {  	s0 =	stileid.u32;
	s1 =	sand.u32 $0x10, s1  }
0x4: {  	s1 =	sor.u32 s0, s1  }
0x5: {  	s6 =	rddreg [dreg:$0x0];
	s4 =	simm.s32 $0x1;
	s2 =	sshll.u32 s1, $0x7  }
0x6: {  	s7 =	simm.s32 $0x2;
	s12 =	simm.s32 $0x0;
	s1 =	ssub.s32 $0x4000, s2  }
0x7: {  	s8 =	simm.s32 $0x20000;
	s13 =	simm.s32 $0x0;
	s3 =	sand.u32 $0xF80, s1  }
0x8: {  	s9 =	simm.s32 $0x0;
	s5 =	sshrl.u32 s1, $0xC;
	p0 =	sne.s32 s3, $0x0  }
.Ltmp0:
0x9: {  	s1 =	rddreg [dreg:$0x2];
	s4 =	simm.s32 @!p0 $0x0;
	(pc) =	sbr.rel .LBB1_1-.Ltmp0, $4  }
0xa: {  	s11 =	simm.s32 $0x0;
	s3 =	rddreg [dreg:$0x1];
	s5 =	sadd.s32 s4, s5  }
0xb: {  	_ =	strace $0x8000004A;
	s4 =	simm.s32 $0x1;
	s5 =	smul.u32 $0x14, s5  }
0xc: {  	s6 =	sadd.s32 $0x1000, s6;
	s10 =	smov.u32 s2;
	[sflag:s4] =	ssyncpa.u1 $0x0  }
0xd: {  	p0 =	por $0x0, $0x0;
	[sflag:s7] =	ssyncpa.u1 $0x0;
	s7 =	sor.u32 $0x1, s5  }
.LBB1_4:
0xe: {  	s16 =	sshll.u32 s13, $0x3;
	s17 =	sand.u32 $0x78, s13  }
0xf: {  	s30 =	sand.u32 $0x1F800, s13;
	s12 =	sshll.u32 s12, $0x11;
	s16 =	sand.u32 $0x3C00, s16  }
0x10: {  	[tilespmem:s15+$0x810 ss:$0x81] =	vst.msk $0xffff, v2;
	s31 =	sand.u32 $0x7, s13;
	s16 =	sor.u32 s17, s16;
	s17 =	sadd.s32 s3, s30  }
0x11: {  	[tilespmem:s15+$0x1020 ss:$0x81] =	vst.msk $0xffff, v0;
	s13 =	sshll.u32 s31, $0x12;
	s12 =	sadd.s32 s12, s17;
	s16 =	sshrl.u32 s16, $0x3  }
0x12: {  	[tilespmem:s15+$0x0 ss:$0x81] =	vst.msk $0xffff, v1;
	s13 =	sor.u32 $0x400, s13;
	s12 =	sadd.s32 s16, s12  }
0x13: {  	[hbm4b:s12+s13] =	stream.strided.scatter [tilespmem:s14], [sflag:$0x2], $0x2000, s8, s13, $0x20;
	[tilespmem:$0x8080] =	vst v63  }
.LBB1_5:
0x14: {  	s14 =	sadd.s32 $0x1, s9  }
0x15: {  	s12 =	sadd.s32 $0x1000, s10;
	s16 =	smov.u32 s10;
	p2 =	sgt.s32 s14, $0x13  }
0x16: {  	s16 =	smov.u32 @p2 s12  }
0x17: {  	s14 =	simm.s32 @p2 $0x0;
	p2 =	sgt.s32 s16, $0x3FFF  }
0x18: {  	s16 =	smov.u32 @p2 s2;
	p2 =	sne.s32 s11, s7  }
.Ltmp1:
0x19: {  	p1 =	slt.u32 s11, $0x2;
	(pc) =	sbr.rel @!p2 .LBB1_6-.Ltmp1, $4  }
0x1a: {  	s15 =	simm.s32 @!p1 $0x2  }
0x1b: {  	s13 =	smov.u32 s10;
	p0 =	por !p0, !p0;
	_ =	swait.ge @!p1 [sflag:s15], $0x2000  }
0x1c: {  	s12 =	smov.u32 s9;
	[sflag:s15] =	ssyncset.done @!p1 $0x0;
	s9 =	smov.u32 s14  }
0x1d: {  	s11 =	sadd.s32 $0x1, s11;
	[sflag:s15] =	ssyncadd.s32 @!p1 $0xFFFFE000;
	s10 =	smov.u32 s16  }
.LBB1_1:
0x1e: {  	p1 =	sge.u32 s11, s5  }
0x1f: {  	s14 =	sand.u32 @!p1 $0x1FFFFFF, s9  }
0x20: {  	s15 =	smulhi.u32 @!p1 $0xAAAAAAB, s14;
	_ =	sdelay $0x1  }
0x21: {  	s15 =	smul.u32 @!p1 $0x18, s15  }
0x22: {  	s16 =	sxor.u32 @!p1 $0xFFFFFFFF, s11;
	s17 =	smul.u32 @!p1 $0x180, s10  }
0x23: {  	s31 =	sadd.s32 $0xFFFFFFFF, s11;
	s16 =	sshll.u32 @!p1 s16, $0xD;
	s14 =	ssub.s32 @!p1 s14, s15  }
0x24: {  	s15 =	sand.u32 @!p1 $0x2000, s16;
	s16 =	sadd.s32 @!p1 s6, s17;
	s14 =	sshll.u32 @!p1 s14, $0x4  }
0x25: {  	s17 =	simm.s32 @!p1 $0xC00;
	s14 =	sadd.s32 @!p1 s14, s16;
	s16 =	simm.s32 @!p1 $0x40  }
0x26: {  	[tilespmem:s15], [sflag:$0x1] =	stream.strided.gather @!p1 [hbm4b:s14+s16], $0x2000, s17, s16, $0x38;
	[tilespmem:$0x8080] =	vst v63  }
0x27: {  	p1 =	sge.u32 s31, s5  }
.Ltmp2:
0x28: {  	_ = 	snop;
	(pc) =	sbr.rel @p1 .LBB1_5-.Ltmp2, $1  }
0x29: {  	_ =	sdelay $0x3  }
0x2a: {  	s14 =	simm.s32 $0x1  }
0x2b: {  	_ =	swait.ge [sflag:s4], $0x2000;
	s14 =	simm.s32 @!p0 $0x0  }
0x2c: {  	[sflag:s4] =	ssyncset.done $0x0;
	s15 =	sshll.u32 s14, $0xD  }
0x2d: {  	[sflag:s4] =	ssyncadd.s32 $0xFFFFE000;
	s18 =	sor.u32 $0x20, s15  }
0x2e: {  	s14 =	smul.u32 $0x8100, s14;
	v3 =	vld [tilespmem:s18+$0x10]  }
0x2f: {  	s30 =	sand.u32 $0x1, s11;
	v2 =	vld [tilespmem:s18+$0xFFFFFFF0]  }
0x30: {  	s15 =	smul.u32 $0x8100, s30;
	s14 =	sshrl.u32 s14, $0x2;
	v0 =	vld [tilespmem:s18+$0x0]  }
0x31: {  	v1 =	vld [tilespmem:s18+$0xFFFFFFE0];
	s16 =	sor.u32 $0x4000, s14  }
0x32: {  	s31 =	sshrl.u32 s15, $0x2;
	s15 =	sadd.s32 $0x0, s16  }
0x33: {  	s17 =	simm.s32 $0x4;
	s18 =	sadd.s32 $0x40, s18;
	s14 =	sor.u32 $0x4000, s31;
	[tilespmem:s15+$0x1830 ss:$0x81] =	vst.msk $0xffff, v3  }
.LBB1_3:
0x34: {  	v3 =	vld [tilespmem:s18+$0x10];
	p1 =	sne.s32 s17, $0x1FC;
	[tilespmem:s15+$0x810 ss:$0x81] =	vst.msk $0xffff, v2;
	s19 =	smov.u32 s17;
	s17 =	sadd.s32 $0x4, s17  }
.Ltmp3:
0x35: {  	v2 =	vld [tilespmem:s18+$0xFFFFFFF0];
	[tilespmem:s15+$0x1020 ss:$0x81] =	vst.msk $0xffff, v0;
	(pc) =	sbr.rel @p1 .LBB1_3-.Ltmp3, $4  }
0x36: {  	v0 =	vld [tilespmem:s18+$0x0];
	[tilespmem:s15+$0x0 ss:$0x81] =	vst.msk $0xffff, v1  }
0x37: {  	s15 =	sshra.s32 s19, $0x2;
	v1 =	vld [tilespmem:s18+$0xFFFFFFE0]  }
0x38: {  	s15 =	sadd.s32 s15, s16  }
0x39: {  	s18 =	sadd.s32 $0x40, s18;
	[tilespmem:s15+$0x1830 ss:$0x81] =	vst.msk $0xffff, v3  }
.Ltmp4:
0x3a: {  	_ = 	snop;
	(pc) =	sbr.rel .LBB1_4-.Ltmp4, $1  }
0x3b: {  	_ =	sdelay $0x3  }
.LBB1_6:
0x3c: {  	_ =	sfence.sel $0x180000  }
0x3d: {  	s2 =	simm.s32 $0x1;
	[bflag:$0x0] =	sbarrier.arrive $0xFFFF  }
0x3e: {  	s31 =	simm.s32 $0x2;
	[sflag:s2] =	ssyncpa.u1 $0x1  }
0x3f: {  	[sflag:s31] =	ssyncpa.u1 $0x1  }
0x40: {  	p0 =	sne.s32 s0, $0x0;
	_ =	strace $0x9000004A  }
0x41: {  	s0 =	sadd.s32 @!p0 $0x100000, s1;
	[bflag:$0x2] =	sbarrier.arrive $0xFFFF  }
0x42: {  	[sflag:s0] =	ssyncadd.tile.s32 @!p0 $0x1;
	_ =	shalt  }
.Lfunc_end1:
_tile_overlayer_lowered:
.L_overlay_start_2:
0x43: {  	(tag) =	ssettag $0x2  }
0x44: {  	s0 =	rddreg [dreg:$0x0];
	s2 =	stileid.u32  }
0x45: {  	s1 =	rddreg [dreg:$0x1];
	p0 =	sne.s32 s2, $0x0  }
0x46: {  	s3 =	rddreg [dreg:$0x2];
	[bflag:$0x3] =	sbarrier.arrive $0xFFFF;
	s2 =	simm.s32 @!p0 $0x1C01  }
0x47: {  	[timem:s3], [sflag:s2] =	dma.local @!p0 [hbm:s0], s1  }
0x48: {  	s0 =	simm.s32 @!p0 $0x1  }
0x49: {  	_ =	swait.ge @!p0 [sflag:s0], s1  }
0x4a: {  	s1 =	ssub.s32 @!p0 $0x0, s1;
	[sflag:s0] =	ssyncset.done @!p0 $0x0  }
0x4b: {  	[sflag:s0] =	ssyncadd.s32 @!p0 s1  }
0x4c: {  	[bflag:$0x3] =	sbarrier.arrive $0xFFFF  }
0x4d: {  	_ =	shalt  }

</sc_bundles>
